<compile_context>
chip_gen: v7x
topology: tpu7x:2x2x1
jax: 0.10.2.dev20260603
libtpu: 0.0.44.dev20260713+nightly
codegen_flags: <defaults>
</compile_context>

<pallas_src>
import functools

import jax
import jax.numpy as jnp
from jax import lax
from jax.experimental import pallas as pl
from jax.experimental.pallas import tpu as pltpu
from jax.experimental.pallas import tpu_sc as plsc

N = 10000
D = 128
E = 320000
NNEIGH = 32.0

NC = 2
NS = 16
NW = NC * NS
EPW = E // NW
K = 125
NCHUNK = EPW // K
NBUF = 4
SUBSTRIDE = 624
SUBROWS = 640

BR = 2000
GRID = N // BR

_HIGH = lax.Precision.HIGHEST


def _wid(cid, sid):
    return sid * NC + cid


def _deg_body(dst3, dzero, dones, degp, idx_v, ones_v, acc_sp, ssem):
    cid = lax.axis_index("c")
    sid = lax.axis_index("s")
    wid = _wid(cid, sid)
    base = sid * SUBSTRIDE

    pltpu.sync_copy(dones, ones_v)
    pltpu.sync_copy(dzero, acc_sp.at[pl.ds(base, SUBROWS)])
    plsc.subcore_barrier()

    pltpu.sync_copy(dst3.at[wid], idx_v)

    def scat(j):
        pltpu.async_copy(ones_v, acc_sp.at[idx_v.at[j]], ssem, add=True)

    def scat_wait(j):
        pltpu.make_async_copy(ones_v, acc_sp.at[idx_v.at[j]], ssem).wait()

    for j in range(NBUF - 1):
        scat(j)

    def body(j, carry):
        scat(j + NBUF - 1)
        scat_wait(j)
        return carry

    lax.fori_loop(0, NCHUNK - NBUF + 1, body, 0)
    for j in range(NCHUNK - NBUF + 1, NCHUNK):
        scat_wait(j)
    plsc.subcore_barrier()

    pltpu.sync_copy(acc_sp.at[pl.ds(base, SUBROWS)],
                    degp.at[cid, pl.ds(base, SUBROWS)])


def _deg_call(dst3, dzero, dones):
    mesh = plsc.VectorSubcoreMesh(core_axis_name="c", subcore_axis_name="s")
    f = pl.kernel(
        _deg_body,
        out_type=jax.ShapeDtypeStruct((NC, N, 16), jnp.float32),
        mesh=mesh,
        compiler_params=pltpu.CompilerParams(use_tc_tiling_on_sc=False),
        scratch_types=[
            pltpu.VMEM((NCHUNK, K), jnp.int32),
            pltpu.VMEM((K, 16), jnp.float32),
            pltpu.VMEM_SHARED((N, 16), jnp.float32),
            pltpu.SemaphoreType.DMA,
        ],
    )
    return f(dst3, dzero, dones)


def _edge_body(y_hbm, src3, dst3, zconst, accp,
               srcv, dstv, rows, acc_sp, gsems, dsems, ssems):
    cid = lax.axis_index("c")
    sid = lax.axis_index("s")
    wid = _wid(cid, sid)
    base = sid * SUBSTRIDE

    pltpu.sync_copy(zconst, acc_sp.at[pl.ds(base, SUBROWS)])
    plsc.subcore_barrier()

    pltpu.sync_copy(src3.at[wid], srcv)

    def issue(j, b):
        pltpu.async_copy(dst3.at[wid, pl.ds(j, 1)], dstv.at[b], dsems.at[b])
        pltpu.async_copy(y_hbm.at[srcv.at[j]], rows.at[b], gsems.at[b])

    def wait_in(j, b):
        pltpu.make_async_copy(dst3.at[wid, pl.ds(j, 1)], dstv.at[b],
                              dsems.at[b]).wait()
        pltpu.make_async_copy(y_hbm.at[srcv.at[j]], rows.at[b],
                              gsems.at[b]).wait()

    def scatter_start(b):
        pltpu.async_copy(rows.at[b], acc_sp.at[dstv.at[b, 0]],
                         ssems.at[b], add=True)

    def scatter_wait(b):
        pltpu.make_async_copy(rows.at[b], acc_sp.at[dstv.at[b, 0]],
                              ssems.at[b]).wait()

    for j in range(NBUF - 1):
        issue(j, j)

    def body(i, carry):
        for b in range(NBUF):
            j = NBUF * i + b
            nb = (b + NBUF - 1) % NBUF
            wait_in(j, b)
            scatter_start(b)

            if b == 0:
                @pl.when(j >= 1)
                def _():
                    scatter_wait(nb)
            else:
                scatter_wait(nb)

            @pl.when(j + NBUF - 1 < NCHUNK)
            def _():
                issue(j + NBUF - 1, nb)

        return carry

    lax.fori_loop(0, NCHUNK // NBUF, body, 0)
    scatter_wait((NCHUNK - 1) % NBUF)
    plsc.subcore_barrier()

    pltpu.sync_copy(acc_sp.at[pl.ds(base, SUBROWS)],
                    accp.at[cid, pl.ds(base, SUBROWS)])


def _edge_call(y, src3, dst3, zconst):
    mesh = plsc.VectorSubcoreMesh(core_axis_name="c", subcore_axis_name="s")
    f = pl.kernel(
        _edge_body,
        out_type=jax.ShapeDtypeStruct((NC, N, D), jnp.bfloat16),
        mesh=mesh,
        compiler_params=pltpu.CompilerParams(use_tc_tiling_on_sc=False),
        scratch_types=[
            pltpu.VMEM((NCHUNK, K), jnp.int32),
            pltpu.VMEM((NBUF, 1, K), jnp.int32),
            pltpu.VMEM((NBUF, K, D), jnp.bfloat16),
            pltpu.VMEM_SHARED((N, D), jnp.bfloat16),
            pltpu.SemaphoreType.DMA((NBUF,)),
            pltpu.SemaphoreType.DMA((NBUF,)),
            pltpu.SemaphoreType.DMA((NBUF,)),
        ],
    )
    return f(y, src3, dst3, zconst)


def _tca_body(gex_ref, wg_ref, wl_ref, bl_ref, dp_ref,
              y_ref, intra_ref, colsum_ref):
    i = pl.program_id(0)
    x = gex_ref[...]
    deg = dp_ref[0] + dp_ref[1]
    dcol = deg[:, 0:1]
    dinv = jnp.where(dcol > 0.0,
                     lax.rsqrt(jnp.maximum(dcol, 1e-12)),
                     0.0)
    xw = lax.dot_general(x, wg_ref[...], (((1,), (1,)), ((), ())),
                         precision=_HIGH, preferred_element_type=jnp.float32)
    y_ref[...] = (xw * dinv).astype(jnp.bfloat16)
    intra = lax.dot_general(x, wl_ref[...], (((1,), (1,)), ((), ())),
                            precision=_HIGH, preferred_element_type=jnp.float32)
    intra_ref[...] = intra + bl_ref[...]
    ps = jnp.sum(x, axis=0, keepdims=True)

    @pl.when(i == 0)
    def _():
        colsum_ref[...] = ps

    @pl.when(i != 0)
    def _():
        colsum_ref[...] = colsum_ref[...] + ps


def _tca_call(gex, wg, wl, bl2, degp):
    return pl.pallas_call(
        _tca_body,
        grid=(GRID,),
        in_specs=[
            pl.BlockSpec((BR, D), lambda i: (i, 0)),
            pl.BlockSpec((D, D), lambda i: (0, 0)),
            pl.BlockSpec((D, D), lambda i: (0, 0)),
            pl.BlockSpec((1, D), lambda i: (0, 0)),
            pl.BlockSpec((NC, BR, 16), lambda i: (0, i, 0)),
        ],
        out_specs=[
            pl.BlockSpec((BR, D), lambda i: (i, 0)),
            pl.BlockSpec((BR, D), lambda i: (i, 0)),
            pl.BlockSpec((1, D), lambda i: (0, 0)),
        ],
        out_shape=[
            jax.ShapeDtypeStruct((N, D), jnp.bfloat16),
            jax.ShapeDtypeStruct((N, D), jnp.float32),
            jax.ShapeDtypeStruct((1, D), jnp.float32),
        ],
    )(gex, wg, wl, bl2, degp)


def _tcb_body(ap_ref, dp_ref, bg_ref, cs_ref,
              wg_ref, wl_ref, msg_ref, logz_ref):
    i = pl.program_id(0)
    deg = dp_ref[0] + dp_ref[1]
    dcol = deg[:, 0:1]
    dinv = jnp.where(dcol > 0.0,
                     lax.rsqrt(jnp.maximum(dcol, 1e-12)),
                     0.0)
    acc = ap_ref[0].astype(jnp.float32) + ap_ref[1].astype(jnp.float32)
    msg_ref[...] = acc * dinv + bg_ref[...]

    @pl.when(i == 0)
    def _():
        n = jnp.float32(N)
        m = cs_ref[...] / n
        wg = wg_ref[...]
        wl = wl_ref[...]
        a = NNEIGH * wg + 2.0 * wl
        gv = lax.dot_general(m, a, (((1,), (1,)), ((), ())),
                             precision=_HIGH,
                             preferred_element_type=jnp.float32)
        g = jnp.sqrt(jnp.sum(gv * gv))
        b2 = wl + (0.5 * NNEIGH) * wg
        mb = lax.dot_general(m, b2, (((1,), (0,)), ((), ())),
                             precision=_HIGH,
                             preferred_element_type=jnp.float32)
        z_mean = -n * jnp.sum(mb * m)
        g_safe = jnp.minimum(g, 20.0)
        z_big = n * (g - jnp.log(jnp.maximum(g, 1e-12)))
        z_small = n * jnp.log(
            (jnp.exp(g_safe) - jnp.exp(-g_safe)) / jnp.maximum(g_safe, 1e-12))
        z = z_mean + jnp.where(g > 20.0, z_big, z_small)
        logz_ref[...] = jnp.full((1, 1), 0.0, jnp.float32) + z


def _tcb_call(accp, degp, bg2, colsum, wg, wl):
    return pl.pallas_call(
        _tcb_body,
        grid=(GRID,),
        in_specs=[
            pl.BlockSpec((NC, BR, D), lambda i: (0, i, 0)),
            pl.BlockSpec((NC, BR, 16), lambda i: (0, i, 0)),
            pl.BlockSpec((1, D), lambda i: (0, 0)),
            pl.BlockSpec((1, D), lambda i: (0, 0)),
            pl.BlockSpec((D, D), lambda i: (0, 0)),
            pl.BlockSpec((D, D), lambda i: (0, 0)),
        ],
        out_specs=[
            pl.BlockSpec((BR, D), lambda i: (i, 0)),
            pl.BlockSpec((1, 1), lambda i: (0, 0)),
        ],
        out_shape=[
            jax.ShapeDtypeStruct((N, D), jnp.float32),
            jax.ShapeDtypeStruct((1, 1), jnp.float32),
        ],
    )(accp, degp, bg2, colsum, wg, wl)


def kernel(edge_index, batch, gex, W_g2g, b_g2g, W_lin, b_lin):
    del batch
    src3 = edge_index[0].reshape(NW, NCHUNK, K)
    dst3 = edge_index[1].reshape(NW, NCHUNK, K)

    dzero = jnp.zeros((SUBROWS, 16), jnp.float32)
    dones = jnp.ones((K, 16), jnp.float32)
    zconst = jnp.zeros((SUBROWS, D), jnp.bfloat16)
    bl2 = b_lin.reshape(1, D)
    bg2 = b_g2g.reshape(1, D)

    degp = _deg_call(dst3, dzero, dones)

    y, intra, colsum = _tca_call(gex, W_g2g, W_lin, bl2, degp)

    accp = _edge_call(y, src3, dst3, zconst)

    msg, logz = _tcb_call(accp, degp, bg2, colsum, W_g2g, W_lin)
    return (msg, intra, logz)

# --- scband reference (transcript-rebuilt; emitter-appended) ---
"""Pipeline reference for scband-celcomen-7181185319173 (READ-ONLY COPY).

The authoritative reference and input builder live on the scoring server;
editing this copy changes nothing except your own understanding.
"""

import jax, jax.numpy as jnp
import numpy as np

N = 10000
D = 128
E = 320000
NNEIGH = 32


def setup_inputs(seed: int = 0) -> dict:
    key = jax.random.key(seed)
    k1, k2, k3, k4 = jax.random.split(key, 4)
    edge_index = jax.random.randint(k1, (2, E), 0, N, dtype=jnp.int32)
    batch = jnp.zeros((N,), dtype=jnp.int32)
    gex = jax.random.normal(k2, (N, D), dtype=jnp.float32)
    W_g2g = jax.random.normal(k3, (D, D), dtype=jnp.float32) / np.sqrt(D)
    b_g2g = jnp.zeros((D,), dtype=jnp.float32)
    W_lin = jax.random.normal(k4, (D, D), dtype=jnp.float32) / np.sqrt(D)
    b_lin = jnp.zeros((D,), dtype=jnp.float32)
    return {"edge_index": edge_index, "batch": batch, "gex": gex,
            "W_g2g": W_g2g, "b_g2g": b_g2g, "W_lin": W_lin, "b_lin": b_lin}


def _gcn_conv(x, edge_index, W, b):
    # GCNConv with add_self_loops=False: x @ W.T, symmetric deg normalization, scatter-add to dst
    src = edge_index[0]
    dst = edge_index[1]
    xw = x @ W.T
    deg = jnp.zeros((x.shape[0],), dtype=xw.dtype).at[dst].add(1.0)
    dinv = jnp.where(deg > 0, jax.lax.rsqrt(jnp.maximum(deg, 1e-12)), 0.0)
    norm = dinv[src] * dinv[dst]
    msgs = jnp.take(xw, src, axis=0) * norm[:, None]
    out = jnp.zeros_like(xw).at[dst].add(msgs)
    return out + b


def _log_z_mft(gex, W_g2g, W_lin, n_neighbors):
    num_spots = gex.shape[0]
    mean_genes = jnp.mean(gex, axis=0).reshape(-1, 1)
    g = jnp.linalg.norm((n_neighbors * W_g2g + 2.0 * W_lin) @ mean_genes)
    z_mean = -num_spots * (mean_genes.T @ (W_lin + 0.5 * n_neighbors * W_g2g) @ mean_genes)
    g_safe = jnp.minimum(g, 20.0)
    z_big = num_spots * (g - jnp.log(jnp.maximum(g, 1e-12)))
    z_small = num_spots * jnp.log((jnp.exp(g_safe) - jnp.exp(-g_safe)) / jnp.maximum(g_safe, 1e-12))
    z_interaction = jnp.where(g > 20.0, z_big, z_small)
    return z_mean + z_interaction


def reference(edge_index, batch, gex, W_g2g, b_g2g, W_lin, b_lin):
    msg = _gcn_conv(gex, edge_index, W_g2g, b_g2g)
    msg_intra = gex @ W_lin.T + b_lin
    log_z_mft = _log_z_mft(gex, W_g2g, W_lin, float(NNEIGH))
    return (msg, msg_intra, log_z_mft)

if __name__ == "__main__":
    import jax
    _d = setup_inputs()
    print(jax.jit(kernel)(*tuple(_d.values())))

</pallas_src>

<mosaic_0001>
#map = affine_map<(d0, d1) -> (0, 0)>
#map1 = affine_map<(d0, d1) -> (0, 0, 0)>
module attributes {stable_mosaic.version = 14 : i64} {
  func.func @_edge_body(%arg0: i32, %arg1: i32, %arg2: memref<10000x128xbf16, #tpu.memory_space<hbm>>, %arg3: memref<32x80x125xi32, #tpu.memory_space<hbm>>, %arg4: memref<32x80x125xi32, #tpu.memory_space<hbm>>, %arg5: memref<640x128xbf16, #tpu.memory_space<hbm>>, %arg6: memref<2x10000x128xbf16, #tpu.memory_space<hbm>>, %arg7: memref<80x125xi32, #tpu.memory_space<vmem>>, %arg8: memref<4x1x125xi32, #tpu.memory_space<vmem>>, %arg9: memref<4x125x128xbf16, #tpu.memory_space<vmem>>, %arg10: memref<10000x128xbf16, #tpu.memory_space<vmem_shared>>, %arg11: memref<4x!tpu.dma_semaphore, #tpu.memory_space<semaphore_mem>>, %arg12: memref<4x!tpu.dma_semaphore, #tpu.memory_space<semaphore_mem>>, %arg13: memref<4x!tpu.dma_semaphore, #tpu.memory_space<semaphore_mem>>) attributes {dimension_semantics = [#tpu.dimension_semantics<core_parallel>, #tpu.dimension_semantics<subcore_parallel>], iteration_bounds = array<i64: 2, 16>, scalar_prefetch = 0 : i64, scratch_operands = 7 : i64, tpu.core_type = #tpu.core_type<sc_vector_subcore>, window_params = [{transform_indices = #map}, {transform_indices = #map1}, {transform_indices = #map1}, {transform_indices = #map}, {transform_indices = #map1}]} {
    %mul3A = arith.constant 2 : i32
    %mul3A_0 = arith.muli %arg1, %mul3A : i32
    %add3A = arith.addi %mul3A_0, %arg0 : i32
    %mul3A_1 = arith.constant 624 : i32
    %mul3A_2 = arith.muli %arg1, %mul3A_1 : i32
    "tpu.region"() ({
      %run_scoped3A = tpu.sem_alloc : memref<!tpu.dma_semaphore, #tpu.memory_space<semaphore_mem>>
      %dma_start3A_128 = arith.constant 0 : i32
      %dma_start3A_129 = tpu.memref_slice %arg10[%mul3A_2, %dma_start3A_128] : memref<10000x128xbf16, #tpu.memory_space<vmem_shared>> -> memref<640x128xbf16, #tpu.memory_space<vmem_shared>>
      tpu.enqueue_dma source(%arg5 : memref<640x128xbf16, #tpu.memory_space<hbm>>) target(%dma_start3A_129 : memref<640x128xbf16, #tpu.memory_space<vmem_shared>>) target_semaphore(%run_scoped3A : memref<!tpu.dma_semaphore, #tpu.memory_space<semaphore_mem>>)
      %dma_wait3A_130 = arith.constant 0 : i32
      %dma_wait3A_131 = tpu.memref_slice %arg10[%mul3A_2, %dma_wait3A_130] : memref<10000x128xbf16, #tpu.memory_space<vmem_shared>> -> memref<640x128xbf16, #tpu.memory_space<vmem_shared>>
      tpu.wait_dma2 semaphore(%run_scoped3A : memref<!tpu.dma_semaphore, #tpu.memory_space<semaphore_mem>>) src(%arg5 : memref<640x128xbf16, #tpu.memory_space<hbm>>) dst(%dma_wait3A_131 : memref<640x128xbf16, #tpu.memory_space<vmem_shared>>)
      tpu.yield
    }) : () -> ()
    %barrier3A = arith.constant 0 : index
    tpu.barrier barrier_id(%barrier3A)
    "tpu.region"() ({
      %run_scoped3A = tpu.sem_alloc : memref<!tpu.dma_semaphore, #tpu.memory_space<semaphore_mem>>
      %dma_start3A_128 = arith.constant 0 : i32
      %dma_start3A_129 = arith.constant 0 : i32
      %dma_start3A_130 = tpu.memref_slice %arg3[%add3A, %dma_start3A_128, %dma_start3A_129] : memref<32x80x125xi32, #tpu.memory_space<hbm>> -> memref<1x80x125xi32, #tpu.memory_space<hbm>>
      %dma_start3A_131 = tpu.memref_squeeze %dma_start3A_130 : memref<1x80x125xi32, #tpu.memory_space<hbm>> -> memref<80x125xi32, #tpu.memory_space<hbm>>
      %dma_start3A_132 = arith.constant 0 : i32
      %dma_start3A_133 = arith.constant 0 : i32
      %dma_start3A_134 = tpu.memref_slice %arg3[%add3A, %dma_start3A_132, %dma_start3A_133] : memref<32x80x125xi32, #tpu.memory_space<hbm>> -> memref<1x80x125xi32, #tpu.memory_space<hbm>>
      %dma_start3A_135 = tpu.memref_squeeze %dma_start3A_134 : memref<1x80x125xi32, #tpu.memory_space<hbm>> -> memref<80x125xi32, #tpu.memory_space<hbm>>
      tpu.enqueue_dma source(%dma_start3A_135 : memref<80x125xi32, #tpu.memory_space<hbm>>) target(%arg7 : memref<80x125xi32, #tpu.memory_space<vmem>>) target_semaphore(%run_scoped3A : memref<!tpu.dma_semaphore, #tpu.memory_space<semaphore_mem>>)
      %dma_wait3A_136 = arith.constant 0 : i32
      %dma_wait3A_137 = arith.constant 0 : i32
      %dma_wait3A_138 = tpu.memref_slice %arg3[%add3A, %dma_wait3A_136, %dma_wait3A_137] : memref<32x80x125xi32, #tpu.memory_space<hbm>> -> memref<1x80x125xi32, #tpu.memory_space<hbm>>
      %dma_wait3A_139 = tpu.memref_squeeze %dma_wait3A_138 : memref<1x80x125xi32, #tpu.memory_space<hbm>> -> memref<80x125xi32, #tpu.memory_space<hbm>>
      %dma_wait3A_140 = arith.constant 0 : i32
      %dma_wait3A_141 = arith.constant 0 : i32
      %dma_wait3A_142 = tpu.memref_slice %arg3[%add3A, %dma_wait3A_140, %dma_wait3A_141] : memref<32x80x125xi32, #tpu.memory_space<hbm>> -> memref<1x80x125xi32, #tpu.memory_space<hbm>>
      %dma_wait3A_143 = tpu.memref_squeeze %dma_wait3A_142 : memref<1x80x125xi32, #tpu.memory_space<hbm>> -> memref<80x125xi32, #tpu.memory_space<hbm>>
      tpu.wait_dma2 semaphore(%run_scoped3A : memref<!tpu.dma_semaphore, #tpu.memory_space<semaphore_mem>>) src(%dma_wait3A_143 : memref<80x125xi32, #tpu.memory_space<hbm>>) dst(%arg7 : memref<80x125xi32, #tpu.memory_space<vmem>>)
      tpu.yield
    }) : () -> ()
    %dma_start3A = arith.constant 0 : i32
    %dma_start3A_3 = arith.constant 0 : i32
    %dma_start3A_4 = arith.constant 0 : i32
    %dma_start3A_5 = arith.constant 0 : i32
    %dma_start3A_6 = tpu.memref_slice %arg8[%dma_start3A, %dma_start3A_4, %dma_start3A_5] : memref<4x1x125xi32, #tpu.memory_space<vmem>> -> memref<1x1x125xi32, #tpu.memory_space<vmem>>
    %dma_start3A_7 = tpu.memref_squeeze %dma_start3A_6 : memref<1x1x125xi32, #tpu.memory_space<vmem>> -> memref<1x125xi32, #tpu.memory_space<vmem>>
    %dma_start3A_8 = arith.constant 0 : i32
    %dma_start3A_9 = arith.constant 0 : i32
    %dma_start3A_10 = tpu.memref_slice %arg4[%add3A, %dma_start3A_8, %dma_start3A_9] : memref<32x80x125xi32, #tpu.memory_space<hbm>> -> memref<1x1x125xi32, #tpu.memory_space<hbm>>
    %dma_start3A_11 = tpu.memref_squeeze %dma_start3A_10 : memref<1x1x125xi32, #tpu.memory_space<hbm>> -> memref<1x125xi32, #tpu.memory_space<hbm>>
    %dma_start3A_12 = tpu.memref_slice %arg12[%dma_start3A_3] : memref<4x!tpu.dma_semaphore, #tpu.memory_space<semaphore_mem>> -> memref<1x!tpu.dma_semaphore, #tpu.memory_space<semaphore_mem>>
    %dma_start3A_13 = tpu.memref_squeeze %dma_start3A_12 : memref<1x!tpu.dma_semaphore, #tpu.memory_space<semaphore_mem>> -> memref<!tpu.dma_semaphore, #tpu.memory_space<semaphore_mem>>
    %dma_start3A_14 = arith.constant 0 : i32
    %dma_start3A_15 = arith.constant 0 : i32
    %dma_start3A_16 = tpu.memref_slice %arg8[%dma_start3A, %dma_start3A_14, %dma_start3A_15] : memref<4x1x125xi32, #tpu.memory_space<vmem>> -> memref<1x1x125xi32, #tpu.memory_space<vmem>>
    %dma_start3A_17 = tpu.memref_squeeze %dma_start3A_16 : memref<1x1x125xi32, #tpu.memory_space<vmem>> -> memref<1x125xi32, #tpu.memory_space<vmem>>
    %dma_start3A_18 = arith.constant 0 : i32
    %dma_start3A_19 = arith.constant 0 : i32
    %dma_start3A_20 = tpu.memref_slice %arg4[%add3A, %dma_start3A_18, %dma_start3A_19] : memref<32x80x125xi32, #tpu.memory_space<hbm>> -> memref<1x1x125xi32, #tpu.memory_space<hbm>>
    %dma_start3A_21 = tpu.memref_squeeze %dma_start3A_20 : memref<1x1x125xi32, #tpu.memory_space<hbm>> -> memref<1x125xi32, #tpu.memory_space<hbm>>
    tpu.enqueue_dma source(%dma_start3A_21 : memref<1x125xi32, #tpu.memory_space<hbm>>) target(%dma_start3A_17 : memref<1x125xi32, #tpu.memory_space<vmem>>) target_semaphore(%dma_start3A_13 : memref<!tpu.dma_semaphore, #tpu.memory_space<semaphore_mem>>)
    %dma_start3A_22 = arith.constant 0 : i32
    %dma_start3A_23 = arith.constant 0 : i32
    %dma_start3A_24 = arith.constant 0 : i32
    %dma_start3A_25 = arith.constant 0 : i32
    %dma_start3A_26 = arith.constant 0 : i32
    %dma_start3A_27 = tpu.memref_slice %arg9[%dma_start3A_23, %dma_start3A_25, %dma_start3A_26] : memref<4x125x128xbf16, #tpu.memory_space<vmem>> -> memref<1x125x128xbf16, #tpu.memory_space<vmem>>
    %dma_start3A_28 = tpu.memref_squeeze %dma_start3A_27 : memref<1x125x128xbf16, #tpu.memory_space<vmem>> -> memref<125x128xbf16, #tpu.memory_space<vmem>>
    %dma_start3A_29 = arith.constant 0 : i32
    %dma_start3A_30 = tpu.memref_slice %arg7[%dma_start3A_22, %dma_start3A_29] : memref<80x125xi32, #tpu.memory_space<vmem>> -> memref<1x125xi32, #tpu.memory_space<vmem>>
    %dma_start3A_31 = tpu.memref_squeeze %dma_start3A_30 : memref<1x125xi32, #tpu.memory_space<vmem>> -> memref<125xi32, #tpu.memory_space<vmem>>
    %dma_start3A_32 = arith.constant 0 : i32
    %dma_start3A_33 = arith.constant 0 : i32
    %dma_start3A_34 = tpu.memref_slice %arg2[%dma_start3A_32, %dma_start3A_33] : memref<10000x128xbf16, #tpu.memory_space<hbm>> -> memref<10000x128xbf16, #tpu.memory_space<hbm>>
    %dma_start3A_35 = tpu.memref_slice %arg11[%dma_start3A_24] : memref<4x!tpu.dma_semaphore, #tpu.memory_space<semaphore_mem>> -> memref<1x!tpu.dma_semaphore, #tpu.memory_space<semaphore_mem>>
    %dma_start3A_36 = tpu.memref_squeeze %dma_start3A_35 : memref<1x!tpu.dma_semaphore, #tpu.memory_space<semaphore_mem>> -> memref<!tpu.dma_semaphore, #tpu.memory_space<semaphore_mem>>
    tpu.enqueue_indirect_dma source(%dma_start3A_34 : memref<10000x128xbf16, #tpu.memory_space<hbm>>) target(%dma_start3A_28 : memref<125x128xbf16, #tpu.memory_space<vmem>>) offsets(%dma_start3A_31 : memref<125xi32, #tpu.memory_space<vmem>>) semaphore(%dma_start3A_36 : memref<!tpu.dma_semaphore, #tpu.memory_space<semaphore_mem>>)
    %dma_start3A_37 = arith.constant 1 : i32
    %dma_start3A_38 = arith.constant 1 : i32
    %dma_start3A_39 = arith.constant 0 : i32
    %dma_start3A_40 = arith.constant 0 : i32
    %dma_start3A_41 = tpu.memref_slice %arg8[%dma_start3A_37, %dma_start3A_39, %dma_start3A_40] : memref<4x1x125xi32, #tpu.memory_space<vmem>> -> memref<1x1x125xi32, #tpu.memory_space<vmem>>
    %dma_start3A_42 = tpu.memref_squeeze %dma_start3A_41 : memref<1x1x125xi32, #tpu.memory_space<vmem>> -> memref<1x125xi32, #tpu.memory_space<vmem>>
    %dma_start3A_43 = arith.constant 1 : i32
    %dma_start3A_44 = arith.constant 0 : i32
    %dma_start3A_45 = tpu.memref_slice %arg4[%add3A, %dma_start3A_43, %dma_start3A_44] : memref<32x80x125xi32, #tpu.memory_space<hbm>> -> memref<1x1x125xi32, #tpu.memory_space<hbm>>
    %dma_start3A_46 = tpu.memref_squeeze %dma_start3A_45 : memref<1x1x125xi32, #tpu.memory_space<hbm>> -> memref<1x125xi32, #tpu.memory_space<hbm>>
    %dma_start3A_47 = tpu.memref_slice %arg12[%dma_start3A_38] : memref<4x!tpu.dma_semaphore, #tpu.memory_space<semaphore_mem>> -> memref<1x!tpu.dma_semaphore, #tpu.memory_space<semaphore_mem>>
    %dma_start3A_48 = tpu.memref_squeeze %dma_start3A_47 : memref<1x!tpu.dma_semaphore, #tpu.memory_space<semaphore_mem>> -> memref<!tpu.dma_semaphore, #tpu.memory_space<semaphore_mem>>
    %dma_start3A_49 = arith.constant 0 : i32
    %dma_start3A_50 = arith.constant 0 : i32
    %dma_start3A_51 = tpu.memref_slice %arg8[%dma_start3A_37, %dma_start3A_49, %dma_start3A_50] : memref<4x1x125xi32, #tpu.memory_space<vmem>> -> memref<1x1x125xi32, #tpu.memory_space<vmem>>
    %dma_start3A_52 = tpu.memref_squeeze %dma_start3A_51 : memref<1x1x125xi32, #tpu.memory_space<vmem>> -> memref<1x125xi32, #tpu.memory_space<vmem>>
    %dma_start3A_53 = arith.constant 1 : i32
    %dma_start3A_54 = arith.constant 0 : i32
    %dma_start3A_55 = tpu.memref_slice %arg4[%add3A, %dma_start3A_53, %dma_start3A_54] : memref<32x80x125xi32, #tpu.memory_space<hbm>> -> memref<1x1x125xi32, #tpu.memory_space<hbm>>
    %dma_start3A_56 = tpu.memref_squeeze %dma_start3A_55 : memref<1x1x125xi32, #tpu.memory_space<hbm>> -> memref<1x125xi32, #tpu.memory_space<hbm>>
    tpu.enqueue_dma source(%dma_start3A_56 : memref<1x125xi32, #tpu.memory_space<hbm>>) target(%dma_start3A_52 : memref<1x125xi32, #tpu.memory_space<vmem>>) target_semaphore(%dma_start3A_48 : memref<!tpu.dma_semaphore, #tpu.memory_space<semaphore_mem>>)
    %dma_start3A_57 = arith.constant 1 : i32
    %dma_start3A_58 = arith.constant 1 : i32
    %dma_start3A_59 = arith.constant 1 : i32
    %dma_start3A_60 = arith.constant 0 : i32
    %dma_start3A_61 = arith.constant 0 : i32
    %dma_start3A_62 = tpu.memref_slice %arg9[%dma_start3A_58, %dma_start3A_60, %dma_start3A_61] : memref<4x125x128xbf16, #tpu.memory_space<vmem>> -> memref<1x125x128xbf16, #tpu.memory_space<vmem>>
    %dma_start3A_63 = tpu.memref_squeeze %dma_start3A_62 : memref<1x125x128xbf16, #tpu.memory_space<vmem>> -> memref<125x128xbf16, #tpu.memory_space<vmem>>
    %dma_start3A_64 = arith.constant 0 : i32
    %dma_start3A_65 = tpu.memref_slice %arg7[%dma_start3A_57, %dma_start3A_64] : memref<80x125xi32, #tpu.memory_space<vmem>> -> memref<1x125xi32, #tpu.memory_space<vmem>>
    %dma_start3A_66 = tpu.memref_squeeze %dma_start3A_65 : memref<1x125xi32, #tpu.memory_space<vmem>> -> memref<125xi32, #tpu.memory_space<vmem>>
    %dma_start3A_67 = arith.constant 0 : i32
    %dma_start3A_68 = arith.constant 0 : i32
    %dma_start3A_69 = tpu.memref_slice %arg2[%dma_start3A_67, %dma_start3A_68] : memref<10000x128xbf16, #tpu.memory_space<hbm>> -> memref<10000x128xbf16, #tpu.memory_space<hbm>>
    %dma_start3A_70 = tpu.memref_slice %arg11[%dma_start3A_59] : memref<4x!tpu.dma_semaphore, #tpu.memory_space<semaphore_mem>> -> memref<1x!tpu.dma_semaphore, #tpu.memory_space<semaphore_mem>>
    %dma_start3A_71 = tpu.memref_squeeze %dma_start3A_70 : memref<1x!tpu.dma_semaphore, #tpu.memory_space<semaphore_mem>> -> memref<!tpu.dma_semaphore, #tpu.memory_space<semaphore_mem>>
    tpu.enqueue_indirect_dma source(%dma_start3A_69 : memref<10000x128xbf16, #tpu.memory_space<hbm>>) target(%dma_start3A_63 : memref<125x128xbf16, #tpu.memory_space<vmem>>) offsets(%dma_start3A_66 : memref<125xi32, #tpu.memory_space<vmem>>) semaphore(%dma_start3A_71 : memref<!tpu.dma_semaphore, #tpu.memory_space<semaphore_mem>>)
    %dma_start3A_72 = arith.constant 2 : i32
    %dma_start3A_73 = arith.constant 2 : i32
    %dma_start3A_74 = arith.constant 0 : i32
    %dma_start3A_75 = arith.constant 0 : i32
    %dma_start3A_76 = tpu.memref_slice %arg8[%dma_start3A_72, %dma_start3A_74, %dma_start3A_75] : memref<4x1x125xi32, #tpu.memory_space<vmem>> -> memref<1x1x125xi32, #tpu.memory_space<vmem>>
    %dma_start3A_77 = tpu.memref_squeeze %dma_start3A_76 : memref<1x1x125xi32, #tpu.memory_space<vmem>> -> memref<1x125xi32, #tpu.memory_space<vmem>>
    %dma_start3A_78 = arith.constant 2 : i32
    %dma_start3A_79 = arith.constant 0 : i32
    %dma_start3A_80 = tpu.memref_slice %arg4[%add3A, %dma_start3A_78, %dma_start3A_79] : memref<32x80x125xi32, #tpu.memory_space<hbm>> -> memref<1x1x125xi32, #tpu.memory_space<hbm>>
    %dma_start3A_81 = tpu.memref_squeeze %dma_start3A_80 : memref<1x1x125xi32, #tpu.memory_space<hbm>> -> memref<1x125xi32, #tpu.memory_space<hbm>>
    %dma_start3A_82 = tpu.memref_slice %arg12[%dma_start3A_73] : memref<4x!tpu.dma_semaphore, #tpu.memory_space<semaphore_mem>> -> memref<1x!tpu.dma_semaphore, #tpu.memory_space<semaphore_mem>>
    %dma_start3A_83 = tpu.memref_squeeze %dma_start3A_82 : memref<1x!tpu.dma_semaphore, #tpu.memory_space<semaphore_mem>> -> memref<!tpu.dma_semaphore, #tpu.memory_space<semaphore_mem>>
    %dma_start3A_84 = arith.constant 0 : i32
    %dma_start3A_85 = arith.constant 0 : i32
    %dma_start3A_86 = tpu.memref_slice %arg8[%dma_start3A_72, %dma_start3A_84, %dma_start3A_85] : memref<4x1x125xi32, #tpu.memory_space<vmem>> -> memref<1x1x125xi32, #tpu.memory_space<vmem>>
    %dma_start3A_87 = tpu.memref_squeeze %dma_start3A_86 : memref<1x1x125xi32, #tpu.memory_space<vmem>> -> memref<1x125xi32, #tpu.memory_space<vmem>>
    %dma_start3A_88 = arith.constant 2 : i32
    %dma_start3A_89 = arith.constant 0 : i32
    %dma_start3A_90 = tpu.memref_slice %arg4[%add3A, %dma_start3A_88, %dma_start3A_89] : memref<32x80x125xi32, #tpu.memory_space<hbm>> -> memref<1x1x125xi32, #tpu.memory_space<hbm>>
    %dma_start3A_91 = tpu.memref_squeeze %dma_start3A_90 : memref<1x1x125xi32, #tpu.memory_space<hbm>> -> memref<1x125xi32, #tpu.memory_space<hbm>>
    tpu.enqueue_dma source(%dma_start3A_91 : memref<1x125xi32, #tpu.memory_space<hbm>>) target(%dma_start3A_87 : memref<1x125xi32, #tpu.memory_space<vmem>>) target_semaphore(%dma_start3A_83 : memref<!tpu.dma_semaphore, #tpu.memory_space<semaphore_mem>>)
    %dma_start3A_92 = arith.constant 2 : i32
    %dma_start3A_93 = arith.constant 2 : i32
    %dma_start3A_94 = arith.constant 2 : i32
    %dma_start3A_95 = arith.constant 0 : i32
    %dma_start3A_96 = arith.constant 0 : i32
    %dma_start3A_97 = tpu.memref_slice %arg9[%dma_start3A_93, %dma_start3A_95, %dma_start3A_96] : memref<4x125x128xbf16, #tpu.memory_space<vmem>> -> memref<1x125x128xbf16, #tpu.memory_space<vmem>>
    %dma_start3A_98 = tpu.memref_squeeze %dma_start3A_97 : memref<1x125x128xbf16, #tpu.memory_space<vmem>> -> memref<125x128xbf16, #tpu.memory_space<vmem>>
    %dma_start3A_99 = arith.constant 0 : i32
    %dma_start3A_100 = tpu.memref_slice %arg7[%dma_start3A_92, %dma_start3A_99] : memref<80x125xi32, #tpu.memory_space<vmem>> -> memref<1x125xi32, #tpu.memory_space<vmem>>
    %dma_start3A_101 = tpu.memref_squeeze %dma_start3A_100 : memref<1x125xi32, #tpu.memory_space<vmem>> -> memref<125xi32, #tpu.memory_space<vmem>>
    %dma_start3A_102 = arith.constant 0 : i32
    %dma_start3A_103 = arith.constant 0 : i32
    %dma_start3A_104 = tpu.memref_slice %arg2[%dma_start3A_102, %dma_start3A_103] : memref<10000x128xbf16, #tpu.memory_space<hbm>> -> memref<10000x128xbf16, #tpu.memory_space<hbm>>
    %dma_start3A_105 = tpu.memref_slice %arg11[%dma_start3A_94] : memref<4x!tpu.dma_semaphore, #tpu.memory_space<semaphore_mem>> -> memref<1x!tpu.dma_semaphore, #tpu.memory_space<semaphore_mem>>
    %dma_start3A_106 = tpu.memref_squeeze %dma_start3A_105 : memref<1x!tpu.dma_semaphore, #tpu.memory_space<semaphore_mem>> -> memref<!tpu.dma_semaphore, #tpu.memory_space<semaphore_mem>>
    tpu.enqueue_indirect_dma source(%dma_start3A_104 : memref<10000x128xbf16, #tpu.memory_space<hbm>>) target(%dma_start3A_98 : memref<125x128xbf16, #tpu.memory_space<vmem>>) offsets(%dma_start3A_101 : memref<125xi32, #tpu.memory_space<vmem>>) semaphore(%dma_start3A_106 : memref<!tpu.dma_semaphore, #tpu.memory_space<semaphore_mem>>)
    %scan3A = arith.constant 0 : i32
    %scan3A_107 = arith.constant 0 : i32
    %scan3A_108 = arith.constant 20 : i32
    %scan3A_109 = arith.addi %scan3A_107, %scan3A_108 : i32
    %scan3A_110 = arith.constant 1 : i32
    scf.for %scan3A_128 = %scan3A_107 to %scan3A_109 step %scan3A_110  : i32 {
      %mul3A_129 = arith.constant 4 : i32
      %mul3A_130 = arith.muli %mul3A_129, %scan3A_128 : i32
      %add3A_131 = arith.constant 0 : i32
      %add3A_132 = arith.addi %mul3A_130, %add3A_131 : i32
      %dma_wait3A_133 = arith.constant 0 : i32
      %dma_wait3A_134 = arith.constant 0 : i32
      %dma_wait3A_135 = arith.constant 0 : i32
      %dma_wait3A_136 = arith.constant 0 : i32
      %dma_wait3A_137 = tpu.memref_slice %arg8[%dma_wait3A_133, %dma_wait3A_135, %dma_wait3A_136] : memref<4x1x125xi32, #tpu.memory_space<vmem>> -> memref<1x1x125xi32, #tpu.memory_space<vmem>>
      %dma_wait3A_138 = tpu.memref_squeeze %dma_wait3A_137 : memref<1x1x125xi32, #tpu.memory_space<vmem>> -> memref<1x125xi32, #tpu.memory_space<vmem>>
      %dma_wait3A_139 = arith.constant 0 : i32
      %dma_wait3A_140 = tpu.memref_slice %arg4[%add3A, %add3A_132, %dma_wait3A_139] : memref<32x80x125xi32, #tpu.memory_space<hbm>> -> memref<1x1x125xi32, #tpu.memory_space<hbm>>
      %dma_wait3A_141 = tpu.memref_squeeze %dma_wait3A_140 : memref<1x1x125xi32, #tpu.memory_space<hbm>> -> memref<1x125xi32, #tpu.memory_space<hbm>>
      %dma_wait3A_142 = tpu.memref_slice %arg12[%dma_wait3A_134] : memref<4x!tpu.dma_semaphore, #tpu.memory_space<semaphore_mem>> -> memref<1x!tpu.dma_semaphore, #tpu.memory_space<semaphore_mem>>
      %dma_wait3A_143 = tpu.memref_squeeze %dma_wait3A_142 : memref<1x!tpu.dma_semaphore, #tpu.memory_space<semaphore_mem>> -> memref<!tpu.dma_semaphore, #tpu.memory_space<semaphore_mem>>
      %dma_wait3A_144 = arith.constant 0 : i32
      %dma_wait3A_145 = arith.constant 0 : i32
      %dma_wait3A_146 = tpu.memref_slice %arg8[%dma_wait3A_133, %dma_wait3A_144, %dma_wait3A_145] : memref<4x1x125xi32, #tpu.memory_space<vmem>> -> memref<1x1x125xi32, #tpu.memory_space<vmem>>
      %dma_wait3A_147 = tpu.memref_squeeze %dma_wait3A_146 : memref<1x1x125xi32, #tpu.memory_space<vmem>> -> memref<1x125xi32, #tpu.memory_space<vmem>>
      %dma_wait3A_148 = arith.constant 0 : i32
      %dma_wait3A_149 = tpu.memref_slice %arg4[%add3A, %add3A_132, %dma_wait3A_148] : memref<32x80x125xi32, #tpu.memory_space<hbm>> -> memref<1x1x125xi32, #tpu.memory_space<hbm>>
      %dma_wait3A_150 = tpu.memref_squeeze %dma_wait3A_149 : memref<1x1x125xi32, #tpu.memory_space<hbm>> -> memref<1x125xi32, #tpu.memory_space<hbm>>
      tpu.wait_dma2 semaphore(%dma_wait3A_143 : memref<!tpu.dma_semaphore, #tpu.memory_space<semaphore_mem>>) src(%dma_wait3A_150 : memref<1x125xi32, #tpu.memory_space<hbm>>) dst(%dma_wait3A_147 : memref<1x125xi32, #tpu.memory_space<vmem>>)
      %dma_wait3A_151 = arith.constant 0 : i32
      %dma_wait3A_152 = arith.constant 0 : i32
      %dma_wait3A_153 = arith.constant 0 : i32
      %dma_wait3A_154 = arith.constant 0 : i32
      %dma_wait3A_155 = tpu.memref_slice %arg9[%dma_wait3A_151, %dma_wait3A_153, %dma_wait3A_154] : memref<4x125x128xbf16, #tpu.memory_space<vmem>> -> memref<1x125x128xbf16, #tpu.memory_space<vmem>>
      %dma_wait3A_156 = tpu.memref_squeeze %dma_wait3A_155 : memref<1x125x128xbf16, #tpu.memory_space<vmem>> -> memref<125x128xbf16, #tpu.memory_space<vmem>>
      %dma_wait3A_157 = arith.constant 0 : i32
      %dma_wait3A_158 = tpu.memref_slice %arg7[%add3A_132, %dma_wait3A_157] : memref<80x125xi32, #tpu.memory_space<vmem>> -> memref<1x125xi32, #tpu.memory_space<vmem>>
      %dma_wait3A_159 = tpu.memref_squeeze %dma_wait3A_158 : memref<1x125xi32, #tpu.memory_space<vmem>> -> memref<125xi32, #tpu.memory_space<vmem>>
      %dma_wait3A_160 = arith.constant 0 : i32
      %dma_wait3A_161 = arith.constant 0 : i32
      %dma_wait3A_162 = tpu.memref_slice %arg2[%dma_wait3A_160, %dma_wait3A_161] : memref<10000x128xbf16, #tpu.memory_space<hbm>> -> memref<10000x128xbf16, #tpu.memory_space<hbm>>
      %dma_wait3A_163 = tpu.memref_slice %arg11[%dma_wait3A_152] : memref<4x!tpu.dma_semaphore, #tpu.memory_space<semaphore_mem>> -> memref<1x!tpu.dma_semaphore, #tpu.memory_space<semaphore_mem>>
      %dma_wait3A_164 = tpu.memref_squeeze %dma_wait3A_163 : memref<1x!tpu.dma_semaphore, #tpu.memory_space<semaphore_mem>> -> memref<!tpu.dma_semaphore, #tpu.memory_space<semaphore_mem>>
      tpu.wait_indirect_dma semaphore(%dma_wait3A_164 : memref<!tpu.dma_semaphore, #tpu.memory_space<semaphore_mem>>) src(%dma_wait3A_162 : memref<10000x128xbf16, #tpu.memory_space<hbm>>) dst(%dma_wait3A_156 : memref<125x128xbf16, #tpu.memory_space<vmem>>)
      %dma_start3A_165 = arith.constant 0 : i32
      %dma_start3A_166 = arith.constant 0 : i32
      %dma_start3A_167 = arith.constant 0 : i32
      %dma_start3A_168 = arith.constant 0 : i32
      %dma_start3A_169 = arith.constant 0 : i32
      %dma_start3A_170 = arith.constant 0 : i32
      %dma_start3A_171 = tpu.memref_slice %arg9[%dma_start3A_165, %dma_start3A_169, %dma_start3A_170] : memref<4x125x128xbf16, #tpu.memory_space<vmem>> -> memref<1x125x128xbf16, #tpu.memory_space<vmem>>
      %dma_start3A_172 = tpu.memref_squeeze %dma_start3A_171 : memref<1x125x128xbf16, #tpu.memory_space<vmem>> -> memref<125x128xbf16, #tpu.memory_space<vmem>>
      %dma_start3A_173 = arith.constant 0 : i32
      %dma_start3A_174 = tpu.memref_slice %arg8[%dma_start3A_166, %dma_start3A_167, %dma_start3A_173] : memref<4x1x125xi32, #tpu.memory_space<vmem>> -> memref<1x1x125xi32, #tpu.memory_space<vmem>>
      %dma_start3A_175 = tpu.memref_squeeze %dma_start3A_174 : memref<1x1x125xi32, #tpu.memory_space<vmem>> -> memref<125xi32, #tpu.memory_space<vmem>>
      %dma_start3A_176 = arith.constant 0 : i32
      %dma_start3A_177 = arith.constant 0 : i32
      %dma_start3A_178 = tpu.memref_slice %arg10[%dma_start3A_176, %dma_start3A_177] : memref<10000x128xbf16, #tpu.memory_space<vmem_shared>> -> memref<10000x128xbf16, #tpu.memory_space<vmem_shared>>
      %dma_start3A_179 = tpu.memref_slice %arg13[%dma_start3A_168] : memref<4x!tpu.dma_semaphore, #tpu.memory_space<semaphore_mem>> -> memref<1x!tpu.dma_semaphore, #tpu.memory_space<semaphore_mem>>
      %dma_start3A_180 = tpu.memref_squeeze %dma_start3A_179 : memref<1x!tpu.dma_semaphore, #tpu.memory_space<semaphore_mem>> -> memref<!tpu.dma_semaphore, #tpu.memory_space<semaphore_mem>>
      tpu.enqueue_indirect_dma source(%dma_start3A_172 : memref<125x128xbf16, #tpu.memory_space<vmem>>) target(%dma_start3A_178 : memref<10000x128xbf16, #tpu.memory_space<vmem_shared>>) offsets(%dma_start3A_175 : memref<125xi32, #tpu.memory_space<vmem>>) semaphore(%dma_start3A_180 : memref<!tpu.dma_semaphore, #tpu.memory_space<semaphore_mem>>) {add = true}
      %ge3A = arith.constant 1 : i32
      %ge3A_181 = arith.cmpi sge, %add3A_132, %ge3A : i32
      %convert_element_type3A = arith.extui %ge3A_181 : i1 to i32
      %cond3A = arith.constant 0 : i32
      %cond3A_182 = arith.cmpi ne, %convert_element_type3A, %cond3A : i32
      scf.if %cond3A_182 {
        %dma_wait3A_421 = arith.constant 3 : i32
        %dma_wait3A_422 = arith.constant 3 : i32
        %dma_wait3A_423 = arith.constant 0 : i32
        %dma_wait3A_424 = arith.constant 3 : i32
        %dma_wait3A_425 = arith.constant 0 : i32
        %dma_wait3A_426 = arith.constant 0 : i32
        %dma_wait3A_427 = tpu.memref_slice %arg9[%dma_wait3A_421, %dma_wait3A_425, %dma_wait3A_426] : memref<4x125x128xbf16, #tpu.memory_space<vmem>> -> memref<1x125x128xbf16, #tpu.memory_space<vmem>>
        %dma_wait3A_428 = tpu.memref_squeeze %dma_wait3A_427 : memref<1x125x128xbf16, #tpu.memory_space<vmem>> -> memref<125x128xbf16, #tpu.memory_space<vmem>>
        %dma_wait3A_429 = arith.constant 0 : i32
        %dma_wait3A_430 = tpu.memref_slice %arg8[%dma_wait3A_422, %dma_wait3A_423, %dma_wait3A_429] : memref<4x1x125xi32, #tpu.memory_space<vmem>> -> memref<1x1x125xi32, #tpu.memory_space<vmem>>
        %dma_wait3A_431 = tpu.memref_squeeze %dma_wait3A_430 : memref<1x1x125xi32, #tpu.memory_space<vmem>> -> memref<125xi32, #tpu.memory_space<vmem>>
        %dma_wait3A_432 = arith.constant 0 : i32
        %dma_wait3A_433 = arith.constant 0 : i32
        %dma_wait3A_434 = tpu.memref_slice %arg10[%dma_wait3A_432, %dma_wait3A_433] : memref<10000x128xbf16, #tpu.memory_space<vmem_shared>> -> memref<10000x128xbf16, #tpu.memory_space<vmem_shared>>
        %dma_wait3A_435 = tpu.memref_slice %arg13[%dma_wait3A_424] : memref<4x!tpu.dma_semaphore, #tpu.memory_space<semaphore_mem>> -> memref<1x!tpu.dma_semaphore, #tpu.memory_space<semaphore_mem>>
        %dma_wait3A_436 = tpu.memref_squeeze %dma_wait3A_435 : memref<1x!tpu.dma_semaphore, #tpu.memory_space<semaphore_mem>> -> memref<!tpu.dma_semaphore, #tpu.memory_space<semaphore_mem>>
        tpu.wait_indirect_dma semaphore(%dma_wait3A_436 : memref<!tpu.dma_semaphore, #tpu.memory_space<semaphore_mem>>) src(%dma_wait3A_428 : memref<125x128xbf16, #tpu.memory_space<vmem>>) dst(%dma_wait3A_434 : memref<10000x128xbf16, #tpu.memory_space<vmem_shared>>)
      } else {
      }
      %add3A_183 = arith.constant 4 : i32
      %add3A_184 = arith.addi %add3A_132, %add3A_183 : i32
      %sub3A = arith.constant 1 : i32
      %sub3A_185 = arith.subi %add3A_184, %sub3A : i32
      %lt3A = arith.constant 80 : i32
      %lt3A_186 = arith.cmpi slt, %sub3A_185, %lt3A : i32
      %convert_element_type3A_187 = arith.extui %lt3A_186 : i1 to i32
      %cond3A_188 = arith.constant 0 : i32
      %cond3A_189 = arith.cmpi ne, %convert_element_type3A_187, %cond3A_188 : i32
      scf.if %cond3A_189 {
        %add3A_421 = arith.constant 4 : i32
        %add3A_422 = arith.addi %add3A_132, %add3A_421 : i32
        %sub3A_423 = arith.constant 1 : i32
        %sub3A_424 = arith.subi %add3A_422, %sub3A_423 : i32
        %dma_start3A_425 = arith.constant 3 : i32
        %dma_start3A_426 = arith.constant 3 : i32
        %dma_start3A_427 = arith.constant 0 : i32
        %dma_start3A_428 = arith.constant 0 : i32
        %dma_start3A_429 = tpu.memref_slice %arg8[%dma_start3A_425, %dma_start3A_427, %dma_start3A_428] : memref<4x1x125xi32, #tpu.memory_space<vmem>> -> memref<1x1x125xi32, #tpu.memory_space<vmem>>
        %dma_start3A_430 = tpu.memref_squeeze %dma_start3A_429 : memref<1x1x125xi32, #tpu.memory_space<vmem>> -> memref<1x125xi32, #tpu.memory_space<vmem>>
        %dma_start3A_431 = arith.constant 0 : i32
        %dma_start3A_432 = tpu.memref_slice %arg4[%add3A, %sub3A_424, %dma_start3A_431] : memref<32x80x125xi32, #tpu.memory_space<hbm>> -> memref<1x1x125xi32, #tpu.memory_space<hbm>>
        %dma_start3A_433 = tpu.memref_squeeze %dma_start3A_432 : memref<1x1x125xi32, #tpu.memory_space<hbm>> -> memref<1x125xi32, #tpu.memory_space<hbm>>
        %dma_start3A_434 = tpu.memref_slice %arg12[%dma_start3A_426] : memref<4x!tpu.dma_semaphore, #tpu.memory_space<semaphore_mem>> -> memref<1x!tpu.dma_semaphore, #tpu.memory_space<semaphore_mem>>
        %dma_start3A_435 = tpu.memref_squeeze %dma_start3A_434 : memref<1x!tpu.dma_semaphore, #tpu.memory_space<semaphore_mem>> -> memref<!tpu.dma_semaphore, #tpu.memory_space<semaphore_mem>>
        %dma_start3A_436 = arith.constant 0 : i32
        %dma_start3A_437 = arith.constant 0 : i32
        %dma_start3A_438 = tpu.memref_slice %arg8[%dma_start3A_425, %dma_start3A_436, %dma_start3A_437] : memref<4x1x125xi32, #tpu.memory_space<vmem>> -> memref<1x1x125xi32, #tpu.memory_space<vmem>>
        %dma_start3A_439 = tpu.memref_squeeze %dma_start3A_438 : memref<1x1x125xi32, #tpu.memory_space<vmem>> -> memref<1x125xi32, #tpu.memory_space<vmem>>
        %dma_start3A_440 = arith.constant 0 : i32
        %dma_start3A_441 = tpu.memref_slice %arg4[%add3A, %sub3A_424, %dma_start3A_440] : memref<32x80x125xi32, #tpu.memory_space<hbm>> -> memref<1x1x125xi32, #tpu.memory_space<hbm>>
        %dma_start3A_442 = tpu.memref_squeeze %dma_start3A_441 : memref<1x1x125xi32, #tpu.memory_space<hbm>> -> memref<1x125xi32, #tpu.memory_space<hbm>>
        tpu.enqueue_dma source(%dma_start3A_442 : memref<1x125xi32, #tpu.memory_space<hbm>>) target(%dma_start3A_439 : memref<1x125xi32, #tpu.memory_space<vmem>>) target_semaphore(%dma_start3A_435 : memref<!tpu.dma_semaphore, #tpu.memory_space<semaphore_mem>>)
        %dma_start3A_443 = arith.constant 3 : i32
        %dma_start3A_444 = arith.constant 3 : i32
        %dma_start3A_445 = arith.constant 0 : i32
        %dma_start3A_446 = arith.constant 0 : i32
        %dma_start3A_447 = tpu.memref_slice %arg9[%dma_start3A_443, %dma_start3A_445, %dma_start3A_446] : memref<4x125x128xbf16, #tpu.memory_space<vmem>> -> memref<1x125x128xbf16, #tpu.memory_space<vmem>>
        %dma_start3A_448 = tpu.memref_squeeze %dma_start3A_447 : memref<1x125x128xbf16, #tpu.memory_space<vmem>> -> memref<125x128xbf16, #tpu.memory_space<vmem>>
        %dma_start3A_449 = arith.constant 0 : i32
        %dma_start3A_450 = tpu.memref_slice %arg7[%sub3A_424, %dma_start3A_449] : memref<80x125xi32, #tpu.memory_space<vmem>> -> memref<1x125xi32, #tpu.memory_space<vmem>>
        %dma_start3A_451 = tpu.memref_squeeze %dma_start3A_450 : memref<1x125xi32, #tpu.memory_space<vmem>> -> memref<125xi32, #tpu.memory_space<vmem>>
        %dma_start3A_452 = arith.constant 0 : i32
        %dma_start3A_453 = arith.constant 0 : i32
        %dma_start3A_454 = tpu.memref_slice %arg2[%dma_start3A_452, %dma_start3A_453] : memref<10000x128xbf16, #tpu.memory_space<hbm>> -> memref<10000x128xbf16, #tpu.memory_space<hbm>>
        %dma_start3A_455 = tpu.memref_slice %arg11[%dma_start3A_444] : memref<4x!tpu.dma_semaphore, #tpu.memory_space<semaphore_mem>> -> memref<1x!tpu.dma_semaphore, #tpu.memory_space<semaphore_mem>>
        %dma_start3A_456 = tpu.memref_squeeze %dma_start3A_455 : memref<1x!tpu.dma_semaphore, #tpu.memory_space<semaphore_mem>> -> memref<!tpu.dma_semaphore, #tpu.memory_space<semaphore_mem>>
        tpu.enqueue_indirect_dma source(%dma_start3A_454 : memref<10000x128xbf16, #tpu.memory_space<hbm>>) target(%dma_start3A_448 : memref<125x128xbf16, #tpu.memory_space<vmem>>) offsets(%dma_start3A_451 : memref<125xi32, #tpu.memory_space<vmem>>) semaphore(%dma_start3A_456 : memref<!tpu.dma_semaphore, #tpu.memory_space<semaphore_mem>>)
      } else {
      }
      %mul3A_190 = arith.constant 4 : i32
      %mul3A_191 = arith.muli %mul3A_190, %scan3A_128 : i32
      %add3A_192 = arith.constant 1 : i32
      %add3A_193 = arith.addi %mul3A_191, %add3A_192 : i32
      %dma_wait3A_194 = arith.constant 1 : i32
      %dma_wait3A_195 = arith.constant 1 : i32
      %dma_wait3A_196 = arith.constant 0 : i32
      %dma_wait3A_197 = arith.constant 0 : i32
      %dma_wait3A_198 = tpu.memref_slice %arg8[%dma_wait3A_194, %dma_wait3A_196, %dma_wait3A_197] : memref<4x1x125xi32, #tpu.memory_space<vmem>> -> memref<1x1x125xi32, #tpu.memory_space<vmem>>
      %dma_wait3A_199 = tpu.memref_squeeze %dma_wait3A_198 : memref<1x1x125xi32, #tpu.memory_space<vmem>> -> memref<1x125xi32, #tpu.memory_space<vmem>>
      %dma_wait3A_200 = arith.constant 0 : i32
      %dma_wait3A_201 = tpu.memref_slice %arg4[%add3A, %add3A_193, %dma_wait3A_200] : memref<32x80x125xi32, #tpu.memory_space<hbm>> -> memref<1x1x125xi32, #tpu.memory_space<hbm>>
      %dma_wait3A_202 = tpu.memref_squeeze %dma_wait3A_201 : memref<1x1x125xi32, #tpu.memory_space<hbm>> -> memref<1x125xi32, #tpu.memory_space<hbm>>
      %dma_wait3A_203 = tpu.memref_slice %arg12[%dma_wait3A_195] : memref<4x!tpu.dma_semaphore, #tpu.memory_space<semaphore_mem>> -> memref<1x!tpu.dma_semaphore, #tpu.memory_space<semaphore_mem>>
      %dma_wait3A_204 = tpu.memref_squeeze %dma_wait3A_203 : memref<1x!tpu.dma_semaphore, #tpu.memory_space<semaphore_mem>> -> memref<!tpu.dma_semaphore, #tpu.memory_space<semaphore_mem>>
      %dma_wait3A_205 = arith.constant 0 : i32
      %dma_wait3A_206 = arith.constant 0 : i32
      %dma_wait3A_207 = tpu.memref_slice %arg8[%dma_wait3A_194, %dma_wait3A_205, %dma_wait3A_206] : memref<4x1x125xi32, #tpu.memory_space<vmem>> -> memref<1x1x125xi32, #tpu.memory_space<vmem>>
      %dma_wait3A_208 = tpu.memref_squeeze %dma_wait3A_207 : memref<1x1x125xi32, #tpu.memory_space<vmem>> -> memref<1x125xi32, #tpu.memory_space<vmem>>
      %dma_wait3A_209 = arith.constant 0 : i32
      %dma_wait3A_210 = tpu.memref_slice %arg4[%add3A, %add3A_193, %dma_wait3A_209] : memref<32x80x125xi32, #tpu.memory_space<hbm>> -> memref<1x1x125xi32, #tpu.memory_space<hbm>>
      %dma_wait3A_211 = tpu.memref_squeeze %dma_wait3A_210 : memref<1x1x125xi32, #tpu.memory_space<hbm>> -> memref<1x125xi32, #tpu.memory_space<hbm>>
      tpu.wait_dma2 semaphore(%dma_wait3A_204 : memref<!tpu.dma_semaphore, #tpu.memory_space<semaphore_mem>>) src(%dma_wait3A_211 : memref<1x125xi32, #tpu.memory_space<hbm>>) dst(%dma_wait3A_208 : memref<1x125xi32, #tpu.memory_space<vmem>>)
      %dma_wait3A_212 = arith.constant 1 : i32
      %dma_wait3A_213 = arith.constant 1 : i32
      %dma_wait3A_214 = arith.constant 0 : i32
      %dma_wait3A_215 = arith.constant 0 : i32
      %dma_wait3A_216 = tpu.memref_slice %arg9[%dma_wait3A_212, %dma_wait3A_214, %dma_wait3A_215] : memref<4x125x128xbf16, #tpu.memory_space<vmem>> -> memref<1x125x128xbf16, #tpu.memory_space<vmem>>
      %dma_wait3A_217 = tpu.memref_squeeze %dma_wait3A_216 : memref<1x125x128xbf16, #tpu.memory_space<vmem>> -> memref<125x128xbf16, #tpu.memory_space<vmem>>
      %dma_wait3A_218 = arith.constant 0 : i32
      %dma_wait3A_219 = tpu.memref_slice %arg7[%add3A_193, %dma_wait3A_218] : memref<80x125xi32, #tpu.memory_space<vmem>> -> memref<1x125xi32, #tpu.memory_space<vmem>>
      %dma_wait3A_220 = tpu.memref_squeeze %dma_wait3A_219 : memref<1x125xi32, #tpu.memory_space<vmem>> -> memref<125xi32, #tpu.memory_space<vmem>>
      %dma_wait3A_221 = arith.constant 0 : i32
      %dma_wait3A_222 = arith.constant 0 : i32
      %dma_wait3A_223 = tpu.memref_slice %arg2[%dma_wait3A_221, %dma_wait3A_222] : memref<10000x128xbf16, #tpu.memory_space<hbm>> -> memref<10000x128xbf16, #tpu.memory_space<hbm>>
      %dma_wait3A_224 = tpu.memref_slice %arg11[%dma_wait3A_213] : memref<4x!tpu.dma_semaphore, #tpu.memory_space<semaphore_mem>> -> memref<1x!tpu.dma_semaphore, #tpu.memory_space<semaphore_mem>>
      %dma_wait3A_225 = tpu.memref_squeeze %dma_wait3A_224 : memref<1x!tpu.dma_semaphore, #tpu.memory_space<semaphore_mem>> -> memref<!tpu.dma_semaphore, #tpu.memory_space<semaphore_mem>>
      tpu.wait_indirect_dma semaphore(%dma_wait3A_225 : memref<!tpu.dma_semaphore, #tpu.memory_space<semaphore_mem>>) src(%dma_wait3A_223 : memref<10000x128xbf16, #tpu.memory_space<hbm>>) dst(%dma_wait3A_217 : memref<125x128xbf16, #tpu.memory_space<vmem>>)
      %dma_start3A_226 = arith.constant 1 : i32
      %dma_start3A_227 = arith.constant 1 : i32
      %dma_start3A_228 = arith.constant 0 : i32
      %dma_start3A_229 = arith.constant 1 : i32
      %dma_start3A_230 = arith.constant 0 : i32
      %dma_start3A_231 = arith.constant 0 : i32
      %dma_start3A_232 = tpu.memref_slice %arg9[%dma_start3A_226, %dma_start3A_230, %dma_start3A_231] : memref<4x125x128xbf16, #tpu.memory_space<vmem>> -> memref<1x125x128xbf16, #tpu.memory_space<vmem>>
      %dma_start3A_233 = tpu.memref_squeeze %dma_start3A_232 : memref<1x125x128xbf16, #tpu.memory_space<vmem>> -> memref<125x128xbf16, #tpu.memory_space<vmem>>
      %dma_start3A_234 = arith.constant 0 : i32
      %dma_start3A_235 = tpu.memref_slice %arg8[%dma_start3A_227, %dma_start3A_228, %dma_start3A_234] : memref<4x1x125xi32, #tpu.memory_space<vmem>> -> memref<1x1x125xi32, #tpu.memory_space<vmem>>
      %dma_start3A_236 = tpu.memref_squeeze %dma_start3A_235 : memref<1x1x125xi32, #tpu.memory_space<vmem>> -> memref<125xi32, #tpu.memory_space<vmem>>
      %dma_start3A_237 = arith.constant 0 : i32
      %dma_start3A_238 = arith.constant 0 : i32
      %dma_start3A_239 = tpu.memref_slice %arg10[%dma_start3A_237, %dma_start3A_238] : memref<10000x128xbf16, #tpu.memory_space<vmem_shared>> -> memref<10000x128xbf16, #tpu.memory_space<vmem_shared>>
      %dma_start3A_240 = tpu.memref_slice %arg13[%dma_start3A_229] : memref<4x!tpu.dma_semaphore, #tpu.memory_space<semaphore_mem>> -> memref<1x!tpu.dma_semaphore, #tpu.memory_space<semaphore_mem>>
      %dma_start3A_241 = tpu.memref_squeeze %dma_start3A_240 : memref<1x!tpu.dma_semaphore, #tpu.memory_space<semaphore_mem>> -> memref<!tpu.dma_semaphore, #tpu.memory_space<semaphore_mem>>
      tpu.enqueue_indirect_dma source(%dma_start3A_233 : memref<125x128xbf16, #tpu.memory_space<vmem>>) target(%dma_start3A_239 : memref<10000x128xbf16, #tpu.memory_space<vmem_shared>>) offsets(%dma_start3A_236 : memref<125xi32, #tpu.memory_space<vmem>>) semaphore(%dma_start3A_241 : memref<!tpu.dma_semaphore, #tpu.memory_space<semaphore_mem>>) {add = true}
      %dma_wait3A_242 = arith.constant 0 : i32
      %dma_wait3A_243 = arith.constant 0 : i32
      %dma_wait3A_244 = arith.constant 0 : i32
      %dma_wait3A_245 = arith.constant 0 : i32
      %dma_wait3A_246 = arith.constant 0 : i32
      %dma_wait3A_247 = arith.constant 0 : i32
      %dma_wait3A_248 = tpu.memref_slice %arg9[%dma_wait3A_242, %dma_wait3A_246, %dma_wait3A_247] : memref<4x125x128xbf16, #tpu.memory_space<vmem>> -> memref<1x125x128xbf16, #tpu.memory_space<vmem>>
      %dma_wait3A_249 = tpu.memref_squeeze %dma_wait3A_248 : memref<1x125x128xbf16, #tpu.memory_space<vmem>> -> memref<125x128xbf16, #tpu.memory_space<vmem>>
      %dma_wait3A_250 = arith.constant 0 : i32
      %dma_wait3A_251 = tpu.memref_slice %arg8[%dma_wait3A_243, %dma_wait3A_244, %dma_wait3A_250] : memref<4x1x125xi32, #tpu.memory_space<vmem>> -> memref<1x1x125xi32, #tpu.memory_space<vmem>>
      %dma_wait3A_252 = tpu.memref_squeeze %dma_wait3A_251 : memref<1x1x125xi32, #tpu.memory_space<vmem>> -> memref<125xi32, #tpu.memory_space<vmem>>
      %dma_wait3A_253 = arith.constant 0 : i32
      %dma_wait3A_254 = arith.constant 0 : i32
      %dma_wait3A_255 = tpu.memref_slice %arg10[%dma_wait3A_253, %dma_wait3A_254] : memref<10000x128xbf16, #tpu.memory_space<vmem_shared>> -> memref<10000x128xbf16, #tpu.memory_space<vmem_shared>>
      %dma_wait3A_256 = tpu.memref_slice %arg13[%dma_wait3A_245] : memref<4x!tpu.dma_semaphore, #tpu.memory_space<semaphore_mem>> -> memref<1x!tpu.dma_semaphore, #tpu.memory_space<semaphore_mem>>
      %dma_wait3A_257 = tpu.memref_squeeze %dma_wait3A_256 : memref<1x!tpu.dma_semaphore, #tpu.memory_space<semaphore_mem>> -> memref<!tpu.dma_semaphore, #tpu.memory_space<semaphore_mem>>
      tpu.wait_indirect_dma semaphore(%dma_wait3A_257 : memref<!tpu.dma_semaphore, #tpu.memory_space<semaphore_mem>>) src(%dma_wait3A_249 : memref<125x128xbf16, #tpu.memory_space<vmem>>) dst(%dma_wait3A_255 : memref<10000x128xbf16, #tpu.memory_space<vmem_shared>>)
      %add3A_258 = arith.constant 4 : i32
      %add3A_259 = arith.addi %add3A_193, %add3A_258 : i32
      %sub3A_260 = arith.constant 1 : i32
      %sub3A_261 = arith.subi %add3A_259, %sub3A_260 : i32
      %lt3A_262 = arith.constant 80 : i32
      %lt3A_263 = arith.cmpi slt, %sub3A_261, %lt3A_262 : i32
      %convert_element_type3A_264 = arith.extui %lt3A_263 : i1 to i32
      %cond3A_265 = arith.constant 0 : i32
      %cond3A_266 = arith.cmpi ne, %convert_element_type3A_264, %cond3A_265 : i32
      scf.if %cond3A_266 {
        %add3A_421 = arith.constant 4 : i32
        %add3A_422 = arith.addi %add3A_193, %add3A_421 : i32
        %sub3A_423 = arith.constant 1 : i32
        %sub3A_424 = arith.subi %add3A_422, %sub3A_423 : i32
        %dma_start3A_425 = arith.constant 0 : i32
        %dma_start3A_426 = arith.constant 0 : i32
        %dma_start3A_427 = arith.constant 0 : i32
        %dma_start3A_428 = arith.constant 0 : i32
        %dma_start3A_429 = tpu.memref_slice %arg8[%dma_start3A_425, %dma_start3A_427, %dma_start3A_428] : memref<4x1x125xi32, #tpu.memory_space<vmem>> -> memref<1x1x125xi32, #tpu.memory_space<vmem>>
        %dma_start3A_430 = tpu.memref_squeeze %dma_start3A_429 : memref<1x1x125xi32, #tpu.memory_space<vmem>> -> memref<1x125xi32, #tpu.memory_space<vmem>>
        %dma_start3A_431 = arith.constant 0 : i32
        %dma_start3A_432 = tpu.memref_slice %arg4[%add3A, %sub3A_424, %dma_start3A_431] : memref<32x80x125xi32, #tpu.memory_space<hbm>> -> memref<1x1x125xi32, #tpu.memory_space<hbm>>
        %dma_start3A_433 = tpu.memref_squeeze %dma_start3A_432 : memref<1x1x125xi32, #tpu.memory_space<hbm>> -> memref<1x125xi32, #tpu.memory_space<hbm>>
        %dma_start3A_434 = tpu.memref_slice %arg12[%dma_start3A_426] : memref<4x!tpu.dma_semaphore, #tpu.memory_space<semaphore_mem>> -> memref<1x!tpu.dma_semaphore, #tpu.memory_space<semaphore_mem>>
        %dma_start3A_435 = tpu.memref_squeeze %dma_start3A_434 : memref<1x!tpu.dma_semaphore, #tpu.memory_space<semaphore_mem>> -> memref<!tpu.dma_semaphore, #tpu.memory_space<semaphore_mem>>
        %dma_start3A_436 = arith.constant 0 : i32
        %dma_start3A_437 = arith.constant 0 : i32
        %dma_start3A_438 = tpu.memref_slice %arg8[%dma_start3A_425, %dma_start3A_436, %dma_start3A_437] : memref<4x1x125xi32, #tpu.memory_space<vmem>> -> memref<1x1x125xi32, #tpu.memory_space<vmem>>
        %dma_start3A_439 = tpu.memref_squeeze %dma_start3A_438 : memref<1x1x125xi32, #tpu.memory_space<vmem>> -> memref<1x125xi32, #tpu.memory_space<vmem>>
        %dma_start3A_440 = arith.constant 0 : i32
        %dma_start3A_441 = tpu.memref_slice %arg4[%add3A, %sub3A_424, %dma_start3A_440] : memref<32x80x125xi32, #tpu.memory_space<hbm>> -> memref<1x1x125xi32, #tpu.memory_space<hbm>>
        %dma_start3A_442 = tpu.memref_squeeze %dma_start3A_441 : memref<1x1x125xi32, #tpu.memory_space<hbm>> -> memref<1x125xi32, #tpu.memory_space<hbm>>
        tpu.enqueue_dma source(%dma_start3A_442 : memref<1x125xi32, #tpu.memory_space<hbm>>) target(%dma_start3A_439 : memref<1x125xi32, #tpu.memory_space<vmem>>) target_semaphore(%dma_start3A_435 : memref<!tpu.dma_semaphore, #tpu.memory_space<semaphore_mem>>)
        %dma_start3A_443 = arith.constant 0 : i32
        %dma_start3A_444 = arith.constant 0 : i32
        %dma_start3A_445 = arith.constant 0 : i32
        %dma_start3A_446 = arith.constant 0 : i32
        %dma_start3A_447 = tpu.memref_slice %arg9[%dma_start3A_443, %dma_start3A_445, %dma_start3A_446] : memref<4x125x128xbf16, #tpu.memory_space<vmem>> -> memref<1x125x128xbf16, #tpu.memory_space<vmem>>
        %dma_start3A_448 = tpu.memref_squeeze %dma_start3A_447 : memref<1x125x128xbf16, #tpu.memory_space<vmem>> -> memref<125x128xbf16, #tpu.memory_space<vmem>>
        %dma_start3A_449 = arith.constant 0 : i32
        %dma_start3A_450 = tpu.memref_slice %arg7[%sub3A_424, %dma_start3A_449] : memref<80x125xi32, #tpu.memory_space<vmem>> -> memref<1x125xi32, #tpu.memory_space<vmem>>
        %dma_start3A_451 = tpu.memref_squeeze %dma_start3A_450 : memref<1x125xi32, #tpu.memory_space<vmem>> -> memref<125xi32, #tpu.memory_space<vmem>>
        %dma_start3A_452 = arith.constant 0 : i32
        %dma_start3A_453 = arith.constant 0 : i32
        %dma_start3A_454 = tpu.memref_slice %arg2[%dma_start3A_452, %dma_start3A_453] : memref<10000x128xbf16, #tpu.memory_space<hbm>> -> memref<10000x128xbf16, #tpu.memory_space<hbm>>
        %dma_start3A_455 = tpu.memref_slice %arg11[%dma_start3A_444] : memref<4x!tpu.dma_semaphore, #tpu.memory_space<semaphore_mem>> -> memref<1x!tpu.dma_semaphore, #tpu.memory_space<semaphore_mem>>
        %dma_start3A_456 = tpu.memref_squeeze %dma_start3A_455 : memref<1x!tpu.dma_semaphore, #tpu.memory_space<semaphore_mem>> -> memref<!tpu.dma_semaphore, #tpu.memory_space<semaphore_mem>>
        tpu.enqueue_indirect_dma source(%dma_start3A_454 : memref<10000x128xbf16, #tpu.memory_space<hbm>>) target(%dma_start3A_448 : memref<125x128xbf16, #tpu.memory_space<vmem>>) offsets(%dma_start3A_451 : memref<125xi32, #tpu.memory_space<vmem>>) semaphore(%dma_start3A_456 : memref<!tpu.dma_semaphore, #tpu.memory_space<semaphore_mem>>)
      } else {
      }
      %mul3A_267 = arith.constant 4 : i32
      %mul3A_268 = arith.muli %mul3A_267, %scan3A_128 : i32
      %add3A_269 = arith.constant 2 : i32
      %add3A_270 = arith.addi %mul3A_268, %add3A_269 : i32
      %dma_wait3A_271 = arith.constant 2 : i32
      %dma_wait3A_272 = arith.constant 2 : i32
      %dma_wait3A_273 = arith.constant 0 : i32
      %dma_wait3A_274 = arith.constant 0 : i32
      %dma_wait3A_275 = tpu.memref_slice %arg8[%dma_wait3A_271, %dma_wait3A_273, %dma_wait3A_274] : memref<4x1x125xi32, #tpu.memory_space<vmem>> -> memref<1x1x125xi32, #tpu.memory_space<vmem>>
      %dma_wait3A_276 = tpu.memref_squeeze %dma_wait3A_275 : memref<1x1x125xi32, #tpu.memory_space<vmem>> -> memref<1x125xi32, #tpu.memory_space<vmem>>
      %dma_wait3A_277 = arith.constant 0 : i32
      %dma_wait3A_278 = tpu.memref_slice %arg4[%add3A, %add3A_270, %dma_wait3A_277] : memref<32x80x125xi32, #tpu.memory_space<hbm>> -> memref<1x1x125xi32, #tpu.memory_space<hbm>>
      %dma_wait3A_279 = tpu.memref_squeeze %dma_wait3A_278 : memref<1x1x125xi32, #tpu.memory_space<hbm>> -> memref<1x125xi32, #tpu.memory_space<hbm>>
      %dma_wait3A_280 = tpu.memref_slice %arg12[%dma_wait3A_272] : memref<4x!tpu.dma_semaphore, #tpu.memory_space<semaphore_mem>> -> memref<1x!tpu.dma_semaphore, #tpu.memory_space<semaphore_mem>>
      %dma_wait3A_281 = tpu.memref_squeeze %dma_wait3A_280 : memref<1x!tpu.dma_semaphore, #tpu.memory_space<semaphore_mem>> -> memref<!tpu.dma_semaphore, #tpu.memory_space<semaphore_mem>>
      %dma_wait3A_282 = arith.constant 0 : i32
      %dma_wait3A_283 = arith.constant 0 : i32
      %dma_wait3A_284 = tpu.memref_slice %arg8[%dma_wait3A_271, %dma_wait3A_282, %dma_wait3A_283] : memref<4x1x125xi32, #tpu.memory_space<vmem>> -> memref<1x1x125xi32, #tpu.memory_space<vmem>>
      %dma_wait3A_285 = tpu.memref_squeeze %dma_wait3A_284 : memref<1x1x125xi32, #tpu.memory_space<vmem>> -> memref<1x125xi32, #tpu.memory_space<vmem>>
      %dma_wait3A_286 = arith.constant 0 : i32
      %dma_wait3A_287 = tpu.memref_slice %arg4[%add3A, %add3A_270, %dma_wait3A_286] : memref<32x80x125xi32, #tpu.memory_space<hbm>> -> memref<1x1x125xi32, #tpu.memory_space<hbm>>
      %dma_wait3A_288 = tpu.memref_squeeze %dma_wait3A_287 : memref<1x1x125xi32, #tpu.memory_space<hbm>> -> memref<1x125xi32, #tpu.memory_space<hbm>>
      tpu.wait_dma2 semaphore(%dma_wait3A_281 : memref<!tpu.dma_semaphore, #tpu.memory_space<semaphore_mem>>) src(%dma_wait3A_288 : memref<1x125xi32, #tpu.memory_space<hbm>>) dst(%dma_wait3A_285 : memref<1x125xi32, #tpu.memory_space<vmem>>)
      %dma_wait3A_289 = arith.constant 2 : i32
      %dma_wait3A_290 = arith.constant 2 : i32
      %dma_wait3A_291 = arith.constant 0 : i32
      %dma_wait3A_292 = arith.constant 0 : i32
      %dma_wait3A_293 = tpu.memref_slice %arg9[%dma_wait3A_289, %dma_wait3A_291, %dma_wait3A_292] : memref<4x125x128xbf16, #tpu.memory_space<vmem>> -> memref<1x125x128xbf16, #tpu.memory_space<vmem>>
      %dma_wait3A_294 = tpu.memref_squeeze %dma_wait3A_293 : memref<1x125x128xbf16, #tpu.memory_space<vmem>> -> memref<125x128xbf16, #tpu.memory_space<vmem>>
      %dma_wait3A_295 = arith.constant 0 : i32
      %dma_wait3A_296 = tpu.memref_slice %arg7[%add3A_270, %dma_wait3A_295] : memref<80x125xi32, #tpu.memory_space<vmem>> -> memref<1x125xi32, #tpu.memory_space<vmem>>
      %dma_wait3A_297 = tpu.memref_squeeze %dma_wait3A_296 : memref<1x125xi32, #tpu.memory_space<vmem>> -> memref<125xi32, #tpu.memory_space<vmem>>
      %dma_wait3A_298 = arith.constant 0 : i32
      %dma_wait3A_299 = arith.constant 0 : i32
      %dma_wait3A_300 = tpu.memref_slice %arg2[%dma_wait3A_298, %dma_wait3A_299] : memref<10000x128xbf16, #tpu.memory_space<hbm>> -> memref<10000x128xbf16, #tpu.memory_space<hbm>>
      %dma_wait3A_301 = tpu.memref_slice %arg11[%dma_wait3A_290] : memref<4x!tpu.dma_semaphore, #tpu.memory_space<semaphore_mem>> -> memref<1x!tpu.dma_semaphore, #tpu.memory_space<semaphore_mem>>
      %dma_wait3A_302 = tpu.memref_squeeze %dma_wait3A_301 : memref<1x!tpu.dma_semaphore, #tpu.memory_space<semaphore_mem>> -> memref<!tpu.dma_semaphore, #tpu.memory_space<semaphore_mem>>
      tpu.wait_indirect_dma semaphore(%dma_wait3A_302 : memref<!tpu.dma_semaphore, #tpu.memory_space<semaphore_mem>>) src(%dma_wait3A_300 : memref<10000x128xbf16, #tpu.memory_space<hbm>>) dst(%dma_wait3A_294 : memref<125x128xbf16, #tpu.memory_space<vmem>>)
      %dma_start3A_303 = arith.constant 2 : i32
      %dma_start3A_304 = arith.constant 2 : i32
      %dma_start3A_305 = arith.constant 0 : i32
      %dma_start3A_306 = arith.constant 2 : i32
      %dma_start3A_307 = arith.constant 0 : i32
      %dma_start3A_308 = arith.constant 0 : i32
      %dma_start3A_309 = tpu.memref_slice %arg9[%dma_start3A_303, %dma_start3A_307, %dma_start3A_308] : memref<4x125x128xbf16, #tpu.memory_space<vmem>> -> memref<1x125x128xbf16, #tpu.memory_space<vmem>>
      %dma_start3A_310 = tpu.memref_squeeze %dma_start3A_309 : memref<1x125x128xbf16, #tpu.memory_space<vmem>> -> memref<125x128xbf16, #tpu.memory_space<vmem>>
      %dma_start3A_311 = arith.constant 0 : i32
      %dma_start3A_312 = tpu.memref_slice %arg8[%dma_start3A_304, %dma_start3A_305, %dma_start3A_311] : memref<4x1x125xi32, #tpu.memory_space<vmem>> -> memref<1x1x125xi32, #tpu.memory_space<vmem>>
      %dma_start3A_313 = tpu.memref_squeeze %dma_start3A_312 : memref<1x1x125xi32, #tpu.memory_space<vmem>> -> memref<125xi32, #tpu.memory_space<vmem>>
      %dma_start3A_314 = arith.constant 0 : i32
      %dma_start3A_315 = arith.constant 0 : i32
      %dma_start3A_316 = tpu.memref_slice %arg10[%dma_start3A_314, %dma_start3A_315] : memref<10000x128xbf16, #tpu.memory_space<vmem_shared>> -> memref<10000x128xbf16, #tpu.memory_space<vmem_shared>>
      %dma_start3A_317 = tpu.memref_slice %arg13[%dma_start3A_306] : memref<4x!tpu.dma_semaphore, #tpu.memory_space<semaphore_mem>> -> memref<1x!tpu.dma_semaphore, #tpu.memory_space<semaphore_mem>>
      %dma_start3A_318 = tpu.memref_squeeze %dma_start3A_317 : memref<1x!tpu.dma_semaphore, #tpu.memory_space<semaphore_mem>> -> memref<!tpu.dma_semaphore, #tpu.memory_space<semaphore_mem>>
      tpu.enqueue_indirect_dma source(%dma_start3A_310 : memref<125x128xbf16, #tpu.memory_space<vmem>>) target(%dma_start3A_316 : memref<10000x128xbf16, #tpu.memory_space<vmem_shared>>) offsets(%dma_start3A_313 : memref<125xi32, #tpu.memory_space<vmem>>) semaphore(%dma_start3A_318 : memref<!tpu.dma_semaphore, #tpu.memory_space<semaphore_mem>>) {add = true}
      %dma_wait3A_319 = arith.constant 1 : i32
      %dma_wait3A_320 = arith.constant 1 : i32
      %dma_wait3A_321 = arith.constant 0 : i32
      %dma_wait3A_322 = arith.constant 1 : i32
      %dma_wait3A_323 = arith.constant 0 : i32
      %dma_wait3A_324 = arith.constant 0 : i32
      %dma_wait3A_325 = tpu.memref_slice %arg9[%dma_wait3A_319, %dma_wait3A_323, %dma_wait3A_324] : memref<4x125x128xbf16, #tpu.memory_space<vmem>> -> memref<1x125x128xbf16, #tpu.memory_space<vmem>>
      %dma_wait3A_326 = tpu.memref_squeeze %dma_wait3A_325 : memref<1x125x128xbf16, #tpu.memory_space<vmem>> -> memref<125x128xbf16, #tpu.memory_space<vmem>>
      %dma_wait3A_327 = arith.constant 0 : i32
      %dma_wait3A_328 = tpu.memref_slice %arg8[%dma_wait3A_320, %dma_wait3A_321, %dma_wait3A_327] : memref<4x1x125xi32, #tpu.memory_space<vmem>> -> memref<1x1x125xi32, #tpu.memory_space<vmem>>
      %dma_wait3A_329 = tpu.memref_squeeze %dma_wait3A_328 : memref<1x1x125xi32, #tpu.memory_space<vmem>> -> memref<125xi32, #tpu.memory_space<vmem>>
      %dma_wait3A_330 = arith.constant 0 : i32
      %dma_wait3A_331 = arith.constant 0 : i32
      %dma_wait3A_332 = tpu.memref_slice %arg10[%dma_wait3A_330, %dma_wait3A_331] : memref<10000x128xbf16, #tpu.memory_space<vmem_shared>> -> memref<10000x128xbf16, #tpu.memory_space<vmem_shared>>
      %dma_wait3A_333 = tpu.memref_slice %arg13[%dma_wait3A_322] : memref<4x!tpu.dma_semaphore, #tpu.memory_space<semaphore_mem>> -> memref<1x!tpu.dma_semaphore, #tpu.memory_space<semaphore_mem>>
      %dma_wait3A_334 = tpu.memref_squeeze %dma_wait3A_333 : memref<1x!tpu.dma_semaphore, #tpu.memory_space<semaphore_mem>> -> memref<!tpu.dma_semaphore, #tpu.memory_space<semaphore_mem>>
      tpu.wait_indirect_dma semaphore(%dma_wait3A_334 : memref<!tpu.dma_semaphore, #tpu.memory_space<semaphore_mem>>) src(%dma_wait3A_326 : memref<125x128xbf16, #tpu.memory_space<vmem>>) dst(%dma_wait3A_332 : memref<10000x128xbf16, #tpu.memory_space<vmem_shared>>)
      %add3A_335 = arith.constant 4 : i32
      %add3A_336 = arith.addi %add3A_270, %add3A_335 : i32
      %sub3A_337 = arith.constant 1 : i32
      %sub3A_338 = arith.subi %add3A_336, %sub3A_337 : i32
      %lt3A_339 = arith.constant 80 : i32
      %lt3A_340 = arith.cmpi slt, %sub3A_338, %lt3A_339 : i32
      %convert_element_type3A_341 = arith.extui %lt3A_340 : i1 to i32
      %cond3A_342 = arith.constant 0 : i32
      %cond3A_343 = arith.cmpi ne, %convert_element_type3A_341, %cond3A_342 : i32
      scf.if %cond3A_343 {
        %add3A_421 = arith.constant 4 : i32
        %add3A_422 = arith.addi %add3A_270, %add3A_421 : i32
        %sub3A_423 = arith.constant 1 : i32
        %sub3A_424 = arith.subi %add3A_422, %sub3A_423 : i32
        %dma_start3A_425 = arith.constant 1 : i32
        %dma_start3A_426 = arith.constant 1 : i32
        %dma_start3A_427 = arith.constant 0 : i32
        %dma_start3A_428 = arith.constant 0 : i32
        %dma_start3A_429 = tpu.memref_slice %arg8[%dma_start3A_425, %dma_start3A_427, %dma_start3A_428] : memref<4x1x125xi32, #tpu.memory_space<vmem>> -> memref<1x1x125xi32, #tpu.memory_space<vmem>>
        %dma_start3A_430 = tpu.memref_squeeze %dma_start3A_429 : memref<1x1x125xi32, #tpu.memory_space<vmem>> -> memref<1x125xi32, #tpu.memory_space<vmem>>
        %dma_start3A_431 = arith.constant 0 : i32
        %dma_start3A_432 = tpu.memref_slice %arg4[%add3A, %sub3A_424, %dma_start3A_431] : memref<32x80x125xi32, #tpu.memory_space<hbm>> -> memref<1x1x125xi32, #tpu.memory_space<hbm>>
        %dma_start3A_433 = tpu.memref_squeeze %dma_start3A_432 : memref<1x1x125xi32, #tpu.memory_space<hbm>> -> memref<1x125xi32, #tpu.memory_space<hbm>>
        %dma_start3A_434 = tpu.memref_slice %arg12[%dma_start3A_426] : memref<4x!tpu.dma_semaphore, #tpu.memory_space<semaphore_mem>> -> memref<1x!tpu.dma_semaphore, #tpu.memory_space<semaphore_mem>>
        %dma_start3A_435 = tpu.memref_squeeze %dma_start3A_434 : memref<1x!tpu.dma_semaphore, #tpu.memory_space<semaphore_mem>> -> memref<!tpu.dma_semaphore, #tpu.memory_space<semaphore_mem>>
        %dma_start3A_436 = arith.constant 0 : i32
        %dma_start3A_437 = arith.constant 0 : i32
        %dma_start3A_438 = tpu.memref_slice %arg8[%dma_start3A_425, %dma_start3A_436, %dma_start3A_437] : memref<4x1x125xi32, #tpu.memory_space<vmem>> -> memref<1x1x125xi32, #tpu.memory_space<vmem>>
        %dma_start3A_439 = tpu.memref_squeeze %dma_start3A_438 : memref<1x1x125xi32, #tpu.memory_space<vmem>> -> memref<1x125xi32, #tpu.memory_space<vmem>>
        %dma_start3A_440 = arith.constant 0 : i32
        %dma_start3A_441 = tpu.memref_slice %arg4[%add3A, %sub3A_424, %dma_start3A_440] : memref<32x80x125xi32, #tpu.memory_space<hbm>> -> memref<1x1x125xi32, #tpu.memory_space<hbm>>
        %dma_start3A_442 = tpu.memref_squeeze %dma_start3A_441 : memref<1x1x125xi32, #tpu.memory_space<hbm>> -> memref<1x125xi32, #tpu.memory_space<hbm>>
        tpu.enqueue_dma source(%dma_start3A_442 : memref<1x125xi32, #tpu.memory_space<hbm>>) target(%dma_start3A_439 : memref<1x125xi32, #tpu.memory_space<vmem>>) target_semaphore(%dma_start3A_435 : memref<!tpu.dma_semaphore, #tpu.memory_space<semaphore_mem>>)
        %dma_start3A_443 = arith.constant 1 : i32
        %dma_start3A_444 = arith.constant 1 : i32
        %dma_start3A_445 = arith.constant 0 : i32
        %dma_start3A_446 = arith.constant 0 : i32
        %dma_start3A_447 = tpu.memref_slice %arg9[%dma_start3A_443, %dma_start3A_445, %dma_start3A_446] : memref<4x125x128xbf16, #tpu.memory_space<vmem>> -> memref<1x125x128xbf16, #tpu.memory_space<vmem>>
        %dma_start3A_448 = tpu.memref_squeeze %dma_start3A_447 : memref<1x125x128xbf16, #tpu.memory_space<vmem>> -> memref<125x128xbf16, #tpu.memory_space<vmem>>
        %dma_start3A_449 = arith.constant 0 : i32
        %dma_start3A_450 = tpu.memref_slice %arg7[%sub3A_424, %dma_start3A_449] : memref<80x125xi32, #tpu.memory_space<vmem>> -> memref<1x125xi32, #tpu.memory_space<vmem>>
        %dma_start3A_451 = tpu.memref_squeeze %dma_start3A_450 : memref<1x125xi32, #tpu.memory_space<vmem>> -> memref<125xi32, #tpu.memory_space<vmem>>
        %dma_start3A_452 = arith.constant 0 : i32
        %dma_start3A_453 = arith.constant 0 : i32
        %dma_start3A_454 = tpu.memref_slice %arg2[%dma_start3A_452, %dma_start3A_453] : memref<10000x128xbf16, #tpu.memory_space<hbm>> -> memref<10000x128xbf16, #tpu.memory_space<hbm>>
        %dma_start3A_455 = tpu.memref_slice %arg11[%dma_start3A_444] : memref<4x!tpu.dma_semaphore, #tpu.memory_space<semaphore_mem>> -> memref<1x!tpu.dma_semaphore, #tpu.memory_space<semaphore_mem>>
        %dma_start3A_456 = tpu.memref_squeeze %dma_start3A_455 : memref<1x!tpu.dma_semaphore, #tpu.memory_space<semaphore_mem>> -> memref<!tpu.dma_semaphore, #tpu.memory_space<semaphore_mem>>
        tpu.enqueue_indirect_dma source(%dma_start3A_454 : memref<10000x128xbf16, #tpu.memory_space<hbm>>) target(%dma_start3A_448 : memref<125x128xbf16, #tpu.memory_space<vmem>>) offsets(%dma_start3A_451 : memref<125xi32, #tpu.memory_space<vmem>>) semaphore(%dma_start3A_456 : memref<!tpu.dma_semaphore, #tpu.memory_space<semaphore_mem>>)
      } else {
      }
      %mul3A_344 = arith.constant 4 : i32
      %mul3A_345 = arith.muli %mul3A_344, %scan3A_128 : i32
      %add3A_346 = arith.constant 3 : i32
      %add3A_347 = arith.addi %mul3A_345, %add3A_346 : i32
      %dma_wait3A_348 = arith.constant 3 : i32
      %dma_wait3A_349 = arith.constant 3 : i32
      %dma_wait3A_350 = arith.constant 0 : i32
      %dma_wait3A_351 = arith.constant 0 : i32
      %dma_wait3A_352 = tpu.memref_slice %arg8[%dma_wait3A_348, %dma_wait3A_350, %dma_wait3A_351] : memref<4x1x125xi32, #tpu.memory_space<vmem>> -> memref<1x1x125xi32, #tpu.memory_space<vmem>>
      %dma_wait3A_353 = tpu.memref_squeeze %dma_wait3A_352 : memref<1x1x125xi32, #tpu.memory_space<vmem>> -> memref<1x125xi32, #tpu.memory_space<vmem>>
      %dma_wait3A_354 = arith.constant 0 : i32
      %dma_wait3A_355 = tpu.memref_slice %arg4[%add3A, %add3A_347, %dma_wait3A_354] : memref<32x80x125xi32, #tpu.memory_space<hbm>> -> memref<1x1x125xi32, #tpu.memory_space<hbm>>
      %dma_wait3A_356 = tpu.memref_squeeze %dma_wait3A_355 : memref<1x1x125xi32, #tpu.memory_space<hbm>> -> memref<1x125xi32, #tpu.memory_space<hbm>>
      %dma_wait3A_357 = tpu.memref_slice %arg12[%dma_wait3A_349] : memref<4x!tpu.dma_semaphore, #tpu.memory_space<semaphore_mem>> -> memref<1x!tpu.dma_semaphore, #tpu.memory_space<semaphore_mem>>
      %dma_wait3A_358 = tpu.memref_squeeze %dma_wait3A_357 : memref<1x!tpu.dma_semaphore, #tpu.memory_space<semaphore_mem>> -> memref<!tpu.dma_semaphore, #tpu.memory_space<semaphore_mem>>
      %dma_wait3A_359 = arith.constant 0 : i32
      %dma_wait3A_360 = arith.constant 0 : i32
      %dma_wait3A_361 = tpu.memref_slice %arg8[%dma_wait3A_348, %dma_wait3A_359, %dma_wait3A_360] : memref<4x1x125xi32, #tpu.memory_space<vmem>> -> memref<1x1x125xi32, #tpu.memory_space<vmem>>
      %dma_wait3A_362 = tpu.memref_squeeze %dma_wait3A_361 : memref<1x1x125xi32, #tpu.memory_space<vmem>> -> memref<1x125xi32, #tpu.memory_space<vmem>>
      %dma_wait3A_363 = arith.constant 0 : i32
      %dma_wait3A_364 = tpu.memref_slice %arg4[%add3A, %add3A_347, %dma_wait3A_363] : memref<32x80x125xi32, #tpu.memory_space<hbm>> -> memref<1x1x125xi32, #tpu.memory_space<hbm>>
      %dma_wait3A_365 = tpu.memref_squeeze %dma_wait3A_364 : memref<1x1x125xi32, #tpu.memory_space<hbm>> -> memref<1x125xi32, #tpu.memory_space<hbm>>
      tpu.wait_dma2 semaphore(%dma_wait3A_358 : memref<!tpu.dma_semaphore, #tpu.memory_space<semaphore_mem>>) src(%dma_wait3A_365 : memref<1x125xi32, #tpu.memory_space<hbm>>) dst(%dma_wait3A_362 : memref<1x125xi32, #tpu.memory_space<vmem>>)
      %dma_wait3A_366 = arith.constant 3 : i32
      %dma_wait3A_367 = arith.constant 3 : i32
      %dma_wait3A_368 = arith.constant 0 : i32
      %dma_wait3A_369 = arith.constant 0 : i32
      %dma_wait3A_370 = tpu.memref_slice %arg9[%dma_wait3A_366, %dma_wait3A_368, %dma_wait3A_369] : memref<4x125x128xbf16, #tpu.memory_space<vmem>> -> memref<1x125x128xbf16, #tpu.memory_space<vmem>>
      %dma_wait3A_371 = tpu.memref_squeeze %dma_wait3A_370 : memref<1x125x128xbf16, #tpu.memory_space<vmem>> -> memref<125x128xbf16, #tpu.memory_space<vmem>>
      %dma_wait3A_372 = arith.constant 0 : i32
      %dma_wait3A_373 = tpu.memref_slice %arg7[%add3A_347, %dma_wait3A_372] : memref<80x125xi32, #tpu.memory_space<vmem>> -> memref<1x125xi32, #tpu.memory_space<vmem>>
      %dma_wait3A_374 = tpu.memref_squeeze %dma_wait3A_373 : memref<1x125xi32, #tpu.memory_space<vmem>> -> memref<125xi32, #tpu.memory_space<vmem>>
      %dma_wait3A_375 = arith.constant 0 : i32
      %dma_wait3A_376 = arith.constant 0 : i32
      %dma_wait3A_377 = tpu.memref_slice %arg2[%dma_wait3A_375, %dma_wait3A_376] : memref<10000x128xbf16, #tpu.memory_space<hbm>> -> memref<10000x128xbf16, #tpu.memory_space<hbm>>
      %dma_wait3A_378 = tpu.memref_slice %arg11[%dma_wait3A_367] : memref<4x!tpu.dma_semaphore, #tpu.memory_space<semaphore_mem>> -> memref<1x!tpu.dma_semaphore, #tpu.memory_space<semaphore_mem>>
      %dma_wait3A_379 = tpu.memref_squeeze %dma_wait3A_378 : memref<1x!tpu.dma_semaphore, #tpu.memory_space<semaphore_mem>> -> memref<!tpu.dma_semaphore, #tpu.memory_space<semaphore_mem>>
      tpu.wait_indirect_dma semaphore(%dma_wait3A_379 : memref<!tpu.dma_semaphore, #tpu.memory_space<semaphore_mem>>) src(%dma_wait3A_377 : memref<10000x128xbf16, #tpu.memory_space<hbm>>) dst(%dma_wait3A_371 : memref<125x128xbf16, #tpu.memory_space<vmem>>)
      %dma_start3A_380 = arith.constant 3 : i32
      %dma_start3A_381 = arith.constant 3 : i32
      %dma_start3A_382 = arith.constant 0 : i32
      %dma_start3A_383 = arith.constant 3 : i32
      %dma_start3A_384 = arith.constant 0 : i32
      %dma_start3A_385 = arith.constant 0 : i32
      %dma_start3A_386 = tpu.memref_slice %arg9[%dma_start3A_380, %dma_start3A_384, %dma_start3A_385] : memref<4x125x128xbf16, #tpu.memory_space<vmem>> -> memref<1x125x128xbf16, #tpu.memory_space<vmem>>
      %dma_start3A_387 = tpu.memref_squeeze %dma_start3A_386 : memref<1x125x128xbf16, #tpu.memory_space<vmem>> -> memref<125x128xbf16, #tpu.memory_space<vmem>>
      %dma_start3A_388 = arith.constant 0 : i32
      %dma_start3A_389 = tpu.memref_slice %arg8[%dma_start3A_381, %dma_start3A_382, %dma_start3A_388] : memref<4x1x125xi32, #tpu.memory_space<vmem>> -> memref<1x1x125xi32, #tpu.memory_space<vmem>>
      %dma_start3A_390 = tpu.memref_squeeze %dma_start3A_389 : memref<1x1x125xi32, #tpu.memory_space<vmem>> -> memref<125xi32, #tpu.memory_space<vmem>>
      %dma_start3A_391 = arith.constant 0 : i32
      %dma_start3A_392 = arith.constant 0 : i32
      %dma_start3A_393 = tpu.memref_slice %arg10[%dma_start3A_391, %dma_start3A_392] : memref<10000x128xbf16, #tpu.memory_space<vmem_shared>> -> memref<10000x128xbf16, #tpu.memory_space<vmem_shared>>
      %dma_start3A_394 = tpu.memref_slice %arg13[%dma_start3A_383] : memref<4x!tpu.dma_semaphore, #tpu.memory_space<semaphore_mem>> -> memref<1x!tpu.dma_semaphore, #tpu.memory_space<semaphore_mem>>
      %dma_start3A_395 = tpu.memref_squeeze %dma_start3A_394 : memref<1x!tpu.dma_semaphore, #tpu.memory_space<semaphore_mem>> -> memref<!tpu.dma_semaphore, #tpu.memory_space<semaphore_mem>>
      tpu.enqueue_indirect_dma source(%dma_start3A_387 : memref<125x128xbf16, #tpu.memory_space<vmem>>) target(%dma_start3A_393 : memref<10000x128xbf16, #tpu.memory_space<vmem_shared>>) offsets(%dma_start3A_390 : memref<125xi32, #tpu.memory_space<vmem>>) semaphore(%dma_start3A_395 : memref<!tpu.dma_semaphore, #tpu.memory_space<semaphore_mem>>) {add = true}
      %dma_wait3A_396 = arith.constant 2 : i32
      %dma_wait3A_397 = arith.constant 2 : i32
      %dma_wait3A_398 = arith.constant 0 : i32
      %dma_wait3A_399 = arith.constant 2 : i32
      %dma_wait3A_400 = arith.constant 0 : i32
      %dma_wait3A_401 = arith.constant 0 : i32
      %dma_wait3A_402 = tpu.memref_slice %arg9[%dma_wait3A_396, %dma_wait3A_400, %dma_wait3A_401] : memref<4x125x128xbf16, #tpu.memory_space<vmem>> -> memref<1x125x128xbf16, #tpu.memory_space<vmem>>
      %dma_wait3A_403 = tpu.memref_squeeze %dma_wait3A_402 : memref<1x125x128xbf16, #tpu.memory_space<vmem>> -> memref<125x128xbf16, #tpu.memory_space<vmem>>
      %dma_wait3A_404 = arith.constant 0 : i32
      %dma_wait3A_405 = tpu.memref_slice %arg8[%dma_wait3A_397, %dma_wait3A_398, %dma_wait3A_404] : memref<4x1x125xi32, #tpu.memory_space<vmem>> -> memref<1x1x125xi32, #tpu.memory_space<vmem>>
      %dma_wait3A_406 = tpu.memref_squeeze %dma_wait3A_405 : memref<1x1x125xi32, #tpu.memory_space<vmem>> -> memref<125xi32, #tpu.memory_space<vmem>>
      %dma_wait3A_407 = arith.constant 0 : i32
      %dma_wait3A_408 = arith.constant 0 : i32
      %dma_wait3A_409 = tpu.memref_slice %arg10[%dma_wait3A_407, %dma_wait3A_408] : memref<10000x128xbf16, #tpu.memory_space<vmem_shared>> -> memref<10000x128xbf16, #tpu.memory_space<vmem_shared>>
      %dma_wait3A_410 = tpu.memref_slice %arg13[%dma_wait3A_399] : memref<4x!tpu.dma_semaphore, #tpu.memory_space<semaphore_mem>> -> memref<1x!tpu.dma_semaphore, #tpu.memory_space<semaphore_mem>>
      %dma_wait3A_411 = tpu.memref_squeeze %dma_wait3A_410 : memref<1x!tpu.dma_semaphore, #tpu.memory_space<semaphore_mem>> -> memref<!tpu.dma_semaphore, #tpu.memory_space<semaphore_mem>>
      tpu.wait_indirect_dma semaphore(%dma_wait3A_411 : memref<!tpu.dma_semaphore, #tpu.memory_space<semaphore_mem>>) src(%dma_wait3A_403 : memref<125x128xbf16, #tpu.memory_space<vmem>>) dst(%dma_wait3A_409 : memref<10000x128xbf16, #tpu.memory_space<vmem_shared>>)
      %add3A_412 = arith.constant 4 : i32
      %add3A_413 = arith.addi %add3A_347, %add3A_412 : i32
      %sub3A_414 = arith.constant 1 : i32
      %sub3A_415 = arith.subi %add3A_413, %sub3A_414 : i32
      %lt3A_416 = arith.constant 80 : i32
      %lt3A_417 = arith.cmpi slt, %sub3A_415, %lt3A_416 : i32
      %convert_element_type3A_418 = arith.extui %lt3A_417 : i1 to i32
      %cond3A_419 = arith.constant 0 : i32
      %cond3A_420 = arith.cmpi ne, %convert_element_type3A_418, %cond3A_419 : i32
      scf.if %cond3A_420 {
        %add3A_421 = arith.constant 4 : i32
        %add3A_422 = arith.addi %add3A_347, %add3A_421 : i32
        %sub3A_423 = arith.constant 1 : i32
        %sub3A_424 = arith.subi %add3A_422, %sub3A_423 : i32
        %dma_start3A_425 = arith.constant 2 : i32
        %dma_start3A_426 = arith.constant 2 : i32
        %dma_start3A_427 = arith.constant 0 : i32
        %dma_start3A_428 = arith.constant 0 : i32
        %dma_start3A_429 = tpu.memref_slice %arg8[%dma_start3A_425, %dma_start3A_427, %dma_start3A_428] : memref<4x1x125xi32, #tpu.memory_space<vmem>> -> memref<1x1x125xi32, #tpu.memory_space<vmem>>
        %dma_start3A_430 = tpu.memref_squeeze %dma_start3A_429 : memref<1x1x125xi32, #tpu.memory_space<vmem>> -> memref<1x125xi32, #tpu.memory_space<vmem>>
        %dma_start3A_431 = arith.constant 0 : i32
        %dma_start3A_432 = tpu.memref_slice %arg4[%add3A, %sub3A_424, %dma_start3A_431] : memref<32x80x125xi32, #tpu.memory_space<hbm>> -> memref<1x1x125xi32, #tpu.memory_space<hbm>>
        %dma_start3A_433 = tpu.memref_squeeze %dma_start3A_432 : memref<1x1x125xi32, #tpu.memory_space<hbm>> -> memref<1x125xi32, #tpu.memory_space<hbm>>
        %dma_start3A_434 = tpu.memref_slice %arg12[%dma_start3A_426] : memref<4x!tpu.dma_semaphore, #tpu.memory_space<semaphore_mem>> -> memref<1x!tpu.dma_semaphore, #tpu.memory_space<semaphore_mem>>
        %dma_start3A_435 = tpu.memref_squeeze %dma_start3A_434 : memref<1x!tpu.dma_semaphore, #tpu.memory_space<semaphore_mem>> -> memref<!tpu.dma_semaphore, #tpu.memory_space<semaphore_mem>>
        %dma_start3A_436 = arith.constant 0 : i32
        %dma_start3A_437 = arith.constant 0 : i32
        %dma_start3A_438 = tpu.memref_slice %arg8[%dma_start3A_425, %dma_start3A_436, %dma_start3A_437] : memref<4x1x125xi32, #tpu.memory_space<vmem>> -> memref<1x1x125xi32, #tpu.memory_space<vmem>>
        %dma_start3A_439 = tpu.memref_squeeze %dma_start3A_438 : memref<1x1x125xi32, #tpu.memory_space<vmem>> -> memref<1x125xi32, #tpu.memory_space<vmem>>
        %dma_start3A_440 = arith.constant 0 : i32
        %dma_start3A_441 = tpu.memref_slice %arg4[%add3A, %sub3A_424, %dma_start3A_440] : memref<32x80x125xi32, #tpu.memory_space<hbm>> -> memref<1x1x125xi32, #tpu.memory_space<hbm>>
        %dma_start3A_442 = tpu.memref_squeeze %dma_start3A_441 : memref<1x1x125xi32, #tpu.memory_space<hbm>> -> memref<1x125xi32, #tpu.memory_space<hbm>>
        tpu.enqueue_dma source(%dma_start3A_442 : memref<1x125xi32, #tpu.memory_space<hbm>>) target(%dma_start3A_439 : memref<1x125xi32, #tpu.memory_space<vmem>>) target_semaphore(%dma_start3A_435 : memref<!tpu.dma_semaphore, #tpu.memory_space<semaphore_mem>>)
        %dma_start3A_443 = arith.constant 2 : i32
        %dma_start3A_444 = arith.constant 2 : i32
        %dma_start3A_445 = arith.constant 0 : i32
        %dma_start3A_446 = arith.constant 0 : i32
        %dma_start3A_447 = tpu.memref_slice %arg9[%dma_start3A_443, %dma_start3A_445, %dma_start3A_446] : memref<4x125x128xbf16, #tpu.memory_space<vmem>> -> memref<1x125x128xbf16, #tpu.memory_space<vmem>>
        %dma_start3A_448 = tpu.memref_squeeze %dma_start3A_447 : memref<1x125x128xbf16, #tpu.memory_space<vmem>> -> memref<125x128xbf16, #tpu.memory_space<vmem>>
        %dma_start3A_449 = arith.constant 0 : i32
        %dma_start3A_450 = tpu.memref_slice %arg7[%sub3A_424, %dma_start3A_449] : memref<80x125xi32, #tpu.memory_space<vmem>> -> memref<1x125xi32, #tpu.memory_space<vmem>>
        %dma_start3A_451 = tpu.memref_squeeze %dma_start3A_450 : memref<1x125xi32, #tpu.memory_space<vmem>> -> memref<125xi32, #tpu.memory_space<vmem>>
        %dma_start3A_452 = arith.constant 0 : i32
        %dma_start3A_453 = arith.constant 0 : i32
        %dma_start3A_454 = tpu.memref_slice %arg2[%dma_start3A_452, %dma_start3A_453] : memref<10000x128xbf16, #tpu.memory_space<hbm>> -> memref<10000x128xbf16, #tpu.memory_space<hbm>>
        %dma_start3A_455 = tpu.memref_slice %arg11[%dma_start3A_444] : memref<4x!tpu.dma_semaphore, #tpu.memory_space<semaphore_mem>> -> memref<1x!tpu.dma_semaphore, #tpu.memory_space<semaphore_mem>>
        %dma_start3A_456 = tpu.memref_squeeze %dma_start3A_455 : memref<1x!tpu.dma_semaphore, #tpu.memory_space<semaphore_mem>> -> memref<!tpu.dma_semaphore, #tpu.memory_space<semaphore_mem>>
        tpu.enqueue_indirect_dma source(%dma_start3A_454 : memref<10000x128xbf16, #tpu.memory_space<hbm>>) target(%dma_start3A_448 : memref<125x128xbf16, #tpu.memory_space<vmem>>) offsets(%dma_start3A_451 : memref<125xi32, #tpu.memory_space<vmem>>) semaphore(%dma_start3A_456 : memref<!tpu.dma_semaphore, #tpu.memory_space<semaphore_mem>>)
      } else {
      }
    }
    %scan3A_111 = arith.constant 20 : i32
    %dma_wait3A = arith.constant 3 : i32
    %dma_wait3A_112 = arith.constant 3 : i32
    %dma_wait3A_113 = arith.constant 0 : i32
    %dma_wait3A_114 = arith.constant 3 : i32
    %dma_wait3A_115 = arith.constant 0 : i32
    %dma_wait3A_116 = arith.constant 0 : i32
    %dma_wait3A_117 = tpu.memref_slice %arg9[%dma_wait3A, %dma_wait3A_115, %dma_wait3A_116] : memref<4x125x128xbf16, #tpu.memory_space<vmem>> -> memref<1x125x128xbf16, #tpu.memory_space<vmem>>
    %dma_wait3A_118 = tpu.memref_squeeze %dma_wait3A_117 : memref<1x125x128xbf16, #tpu.memory_space<vmem>> -> memref<125x128xbf16, #tpu.memory_space<vmem>>
    %dma_wait3A_119 = arith.constant 0 : i32
    %dma_wait3A_120 = tpu.memref_slice %arg8[%dma_wait3A_112, %dma_wait3A_113, %dma_wait3A_119] : memref<4x1x125xi32, #tpu.memory_space<vmem>> -> memref<1x1x125xi32, #tpu.memory_space<vmem>>
    %dma_wait3A_121 = tpu.memref_squeeze %dma_wait3A_120 : memref<1x1x125xi32, #tpu.memory_space<vmem>> -> memref<125xi32, #tpu.memory_space<vmem>>
    %dma_wait3A_122 = arith.constant 0 : i32
    %dma_wait3A_123 = arith.constant 0 : i32
    %dma_wait3A_124 = tpu.memref_slice %arg10[%dma_wait3A_122, %dma_wait3A_123] : memref<10000x128xbf16, #tpu.memory_space<vmem_shared>> -> memref<10000x128xbf16, #tpu.memory_space<vmem_shared>>
    %dma_wait3A_125 = tpu.memref_slice %arg13[%dma_wait3A_114] : memref<4x!tpu.dma_semaphore, #tpu.memory_space<semaphore_mem>> -> memref<1x!tpu.dma_semaphore, #tpu.memory_space<semaphore_mem>>
    %dma_wait3A_126 = tpu.memref_squeeze %dma_wait3A_125 : memref<1x!tpu.dma_semaphore, #tpu.memory_space<semaphore_mem>> -> memref<!tpu.dma_semaphore, #tpu.memory_space<semaphore_mem>>
    tpu.wait_indirect_dma semaphore(%dma_wait3A_126 : memref<!tpu.dma_semaphore, #tpu.memory_space<semaphore_mem>>) src(%dma_wait3A_118 : memref<125x128xbf16, #tpu.memory_space<vmem>>) dst(%dma_wait3A_124 : memref<10000x128xbf16, #tpu.memory_space<vmem_shared>>)
    %barrier3A_127 = arith.constant 0 : index
    tpu.barrier barrier_id(%barrier3A_127)
    "tpu.region"() ({
      %run_scoped3A = tpu.sem_alloc : memref<!tpu.dma_semaphore, #tpu.memory_space<semaphore_mem>>
      %dma_start3A_128 = arith.constant 0 : i32
      %dma_start3A_129 = tpu.memref_slice %arg6[%arg0, %mul3A_2, %dma_start3A_128] : memref<2x10000x128xbf16, #tpu.memory_space<hbm>> -> memref<1x640x128xbf16, #tpu.memory_space<hbm>>
      %dma_start3A_130 = tpu.memref_squeeze %dma_start3A_129 : memref<1x640x128xbf16, #tpu.memory_space<hbm>> -> memref<640x128xbf16, #tpu.memory_space<hbm>>
      %dma_start3A_131 = arith.constant 0 : i32
      %dma_start3A_132 = tpu.memref_slice %arg10[%mul3A_2, %dma_start3A_131] : memref<10000x128xbf16, #tpu.memory_space<vmem_shared>> -> memref<640x128xbf16, #tpu.memory_space<vmem_shared>>
      tpu.enqueue_dma source(%dma_start3A_132 : memref<640x128xbf16, #tpu.memory_space<vmem_shared>>) target(%dma_start3A_130 : memref<640x128xbf16, #tpu.memory_space<hbm>>) target_semaphore(%run_scoped3A : memref<!tpu.dma_semaphore, #tpu.memory_space<semaphore_mem>>)
      %dma_wait3A_133 = arith.constant 0 : i32
      %dma_wait3A_134 = tpu.memref_slice %arg6[%arg0, %mul3A_2, %dma_wait3A_133] : memref<2x10000x128xbf16, #tpu.memory_space<hbm>> -> memref<1x640x128xbf16, #tpu.memory_space<hbm>>
      %dma_wait3A_135 = tpu.memref_squeeze %dma_wait3A_134 : memref<1x640x128xbf16, #tpu.memory_space<hbm>> -> memref<640x128xbf16, #tpu.memory_space<hbm>>
      %dma_wait3A_136 = arith.constant 0 : i32
      %dma_wait3A_137 = tpu.memref_slice %arg10[%mul3A_2, %dma_wait3A_136] : memref<10000x128xbf16, #tpu.memory_space<vmem_shared>> -> memref<640x128xbf16, #tpu.memory_space<vmem_shared>>
      tpu.wait_dma2 semaphore(%run_scoped3A : memref<!tpu.dma_semaphore, #tpu.memory_space<semaphore_mem>>) src(%dma_wait3A_137 : memref<640x128xbf16, #tpu.memory_space<vmem_shared>>) dst(%dma_wait3A_135 : memref<640x128xbf16, #tpu.memory_space<hbm>>)
      tpu.yield
    }) : () -> ()
    return
  }
}

#map = affine_map<(d0, d1) -> (0, 0, 0)>
#map1 = affine_map<(d0, d1) -> (0, 0)>
module attributes {stable_mosaic.version = 14 : i64} {
  func.func @_deg_body(%arg0: i32, %arg1: i32, %arg2: memref<32x80x125xi32, #tpu.memory_space<hbm>>, %arg3: memref<640x16xf32, #tpu.memory_space<hbm>>, %arg4: memref<125x16xf32, #tpu.memory_space<hbm>>, %arg5: memref<2x10000x16xf32, #tpu.memory_space<hbm>>, %arg6: memref<80x125xi32, #tpu.memory_space<vmem>>, %arg7: memref<125x16xf32, #tpu.memory_space<vmem>>, %arg8: memref<10000x16xf32, #tpu.memory_space<vmem_shared>>, %arg9: memref<!tpu.dma_semaphore, #tpu.memory_space<semaphore_mem>>) attributes {dimension_semantics = [#tpu.dimension_semantics<core_parallel>, #tpu.dimension_semantics<subcore_parallel>], iteration_bounds = array<i64: 2, 16>, scalar_prefetch = 0 : i64, scratch_operands = 4 : i64, tpu.core_type = #tpu.core_type<sc_vector_subcore>, window_params = [{transform_indices = #map}, {transform_indices = #map1}, {transform_indices = #map1}, {transform_indices = #map}]} {
    %mul3A = arith.constant 2 : i32
    %mul3A_0 = arith.muli %arg1, %mul3A : i32
    %add3A = arith.addi %mul3A_0, %arg0 : i32
    %mul3A_1 = arith.constant 624 : i32
    %mul3A_2 = arith.muli %arg1, %mul3A_1 : i32
    "tpu.region"() ({
      %run_scoped3A = tpu.sem_alloc : memref<!tpu.dma_semaphore, #tpu.memory_space<semaphore_mem>>
      tpu.enqueue_dma source(%arg4 : memref<125x16xf32, #tpu.memory_space<hbm>>) target(%arg7 : memref<125x16xf32, #tpu.memory_space<vmem>>) target_semaphore(%run_scoped3A : memref<!tpu.dma_semaphore, #tpu.memory_space<semaphore_mem>>)
      tpu.wait_dma2 semaphore(%run_scoped3A : memref<!tpu.dma_semaphore, #tpu.memory_space<semaphore_mem>>) src(%arg4 : memref<125x16xf32, #tpu.memory_space<hbm>>) dst(%arg7 : memref<125x16xf32, #tpu.memory_space<vmem>>)
      tpu.yield
    }) : () -> ()
    "tpu.region"() ({
      %run_scoped3A = tpu.sem_alloc : memref<!tpu.dma_semaphore, #tpu.memory_space<semaphore_mem>>
      %dma_start3A_49 = arith.constant 0 : i32
      %dma_start3A_50 = tpu.memref_slice %arg8[%mul3A_2, %dma_start3A_49] : memref<10000x16xf32, #tpu.memory_space<vmem_shared>> -> memref<640x16xf32, #tpu.memory_space<vmem_shared>>
      tpu.enqueue_dma source(%arg3 : memref<640x16xf32, #tpu.memory_space<hbm>>) target(%dma_start3A_50 : memref<640x16xf32, #tpu.memory_space<vmem_shared>>) target_semaphore(%run_scoped3A : memref<!tpu.dma_semaphore, #tpu.memory_space<semaphore_mem>>)
      %dma_wait3A_51 = arith.constant 0 : i32
      %dma_wait3A_52 = tpu.memref_slice %arg8[%mul3A_2, %dma_wait3A_51] : memref<10000x16xf32, #tpu.memory_space<vmem_shared>> -> memref<640x16xf32, #tpu.memory_space<vmem_shared>>
      tpu.wait_dma2 semaphore(%run_scoped3A : memref<!tpu.dma_semaphore, #tpu.memory_space<semaphore_mem>>) src(%arg3 : memref<640x16xf32, #tpu.memory_space<hbm>>) dst(%dma_wait3A_52 : memref<640x16xf32, #tpu.memory_space<vmem_shared>>)
      tpu.yield
    }) : () -> ()
    %barrier3A = arith.constant 0 : index
    tpu.barrier barrier_id(%barrier3A)
    "tpu.region"() ({
      %run_scoped3A = tpu.sem_alloc : memref<!tpu.dma_semaphore, #tpu.memory_space<semaphore_mem>>
      %dma_start3A_49 = arith.constant 0 : i32
      %dma_start3A_50 = arith.constant 0 : i32
      %dma_start3A_51 = tpu.memref_slice %arg2[%add3A, %dma_start3A_49, %dma_start3A_50] : memref<32x80x125xi32, #tpu.memory_space<hbm>> -> memref<1x80x125xi32, #tpu.memory_space<hbm>>
      %dma_start3A_52 = tpu.memref_squeeze %dma_start3A_51 : memref<1x80x125xi32, #tpu.memory_space<hbm>> -> memref<80x125xi32, #tpu.memory_space<hbm>>
      %dma_start3A_53 = arith.constant 0 : i32
      %dma_start3A_54 = arith.constant 0 : i32
      %dma_start3A_55 = tpu.memref_slice %arg2[%add3A, %dma_start3A_53, %dma_start3A_54] : memref<32x80x125xi32, #tpu.memory_space<hbm>> -> memref<1x80x125xi32, #tpu.memory_space<hbm>>
      %dma_start3A_56 = tpu.memref_squeeze %dma_start3A_55 : memref<1x80x125xi32, #tpu.memory_space<hbm>> -> memref<80x125xi32, #tpu.memory_space<hbm>>
      tpu.enqueue_dma source(%dma_start3A_56 : memref<80x125xi32, #tpu.memory_space<hbm>>) target(%arg6 : memref<80x125xi32, #tpu.memory_space<vmem>>) target_semaphore(%run_scoped3A : memref<!tpu.dma_semaphore, #tpu.memory_space<semaphore_mem>>)
      %dma_wait3A_57 = arith.constant 0 : i32
      %dma_wait3A_58 = arith.constant 0 : i32
      %dma_wait3A_59 = tpu.memref_slice %arg2[%add3A, %dma_wait3A_57, %dma_wait3A_58] : memref<32x80x125xi32, #tpu.memory_space<hbm>> -> memref<1x80x125xi32, #tpu.memory_space<hbm>>
      %dma_wait3A_60 = tpu.memref_squeeze %dma_wait3A_59 : memref<1x80x125xi32, #tpu.memory_space<hbm>> -> memref<80x125xi32, #tpu.memory_space<hbm>>
      %dma_wait3A_61 = arith.constant 0 : i32
      %dma_wait3A_62 = arith.constant 0 : i32
      %dma_wait3A_63 = tpu.memref_slice %arg2[%add3A, %dma_wait3A_61, %dma_wait3A_62] : memref<32x80x125xi32, #tpu.memory_space<hbm>> -> memref<1x80x125xi32, #tpu.memory_space<hbm>>
      %dma_wait3A_64 = tpu.memref_squeeze %dma_wait3A_63 : memref<1x80x125xi32, #tpu.memory_space<hbm>> -> memref<80x125xi32, #tpu.memory_space<hbm>>
      tpu.wait_dma2 semaphore(%run_scoped3A : memref<!tpu.dma_semaphore, #tpu.memory_space<semaphore_mem>>) src(%dma_wait3A_64 : memref<80x125xi32, #tpu.memory_space<hbm>>) dst(%arg6 : memref<80x125xi32, #tpu.memory_space<vmem>>)
      tpu.yield
    }) : () -> ()
    %dma_start3A = arith.constant 0 : i32
    %dma_start3A_3 = arith.constant 0 : i32
    %dma_start3A_4 = tpu.memref_slice %arg6[%dma_start3A, %dma_start3A_3] : memref<80x125xi32, #tpu.memory_space<vmem>> -> memref<1x125xi32, #tpu.memory_space<vmem>>
    %dma_start3A_5 = tpu.memref_squeeze %dma_start3A_4 : memref<1x125xi32, #tpu.memory_space<vmem>> -> memref<125xi32, #tpu.memory_space<vmem>>
    %dma_start3A_6 = arith.constant 0 : i32
    %dma_start3A_7 = arith.constant 0 : i32
    %dma_start3A_8 = tpu.memref_slice %arg8[%dma_start3A_6, %dma_start3A_7] : memref<10000x16xf32, #tpu.memory_space<vmem_shared>> -> memref<10000x16xf32, #tpu.memory_space<vmem_shared>>
    tpu.enqueue_indirect_dma source(%arg7 : memref<125x16xf32, #tpu.memory_space<vmem>>) target(%dma_start3A_8 : memref<10000x16xf32, #tpu.memory_space<vmem_shared>>) offsets(%dma_start3A_5 : memref<125xi32, #tpu.memory_space<vmem>>) semaphore(%arg9 : memref<!tpu.dma_semaphore, #tpu.memory_space<semaphore_mem>>) {add = true}
    %dma_start3A_9 = arith.constant 1 : i32
    %dma_start3A_10 = arith.constant 0 : i32
    %dma_start3A_11 = tpu.memref_slice %arg6[%dma_start3A_9, %dma_start3A_10] : memref<80x125xi32, #tpu.memory_space<vmem>> -> memref<1x125xi32, #tpu.memory_space<vmem>>
    %dma_start3A_12 = tpu.memref_squeeze %dma_start3A_11 : memref<1x125xi32, #tpu.memory_space<vmem>> -> memref<125xi32, #tpu.memory_space<vmem>>
    %dma_start3A_13 = arith.constant 0 : i32
    %dma_start3A_14 = arith.constant 0 : i32
    %dma_start3A_15 = tpu.memref_slice %arg8[%dma_start3A_13, %dma_start3A_14] : memref<10000x16xf32, #tpu.memory_space<vmem_shared>> -> memref<10000x16xf32, #tpu.memory_space<vmem_shared>>
    tpu.enqueue_indirect_dma source(%arg7 : memref<125x16xf32, #tpu.memory_space<vmem>>) target(%dma_start3A_15 : memref<10000x16xf32, #tpu.memory_space<vmem_shared>>) offsets(%dma_start3A_12 : memref<125xi32, #tpu.memory_space<vmem>>) semaphore(%arg9 : memref<!tpu.dma_semaphore, #tpu.memory_space<semaphore_mem>>) {add = true}
    %dma_start3A_16 = arith.constant 2 : i32
    %dma_start3A_17 = arith.constant 0 : i32
    %dma_start3A_18 = tpu.memref_slice %arg6[%dma_start3A_16, %dma_start3A_17] : memref<80x125xi32, #tpu.memory_space<vmem>> -> memref<1x125xi32, #tpu.memory_space<vmem>>
    %dma_start3A_19 = tpu.memref_squeeze %dma_start3A_18 : memref<1x125xi32, #tpu.memory_space<vmem>> -> memref<125xi32, #tpu.memory_space<vmem>>
    %dma_start3A_20 = arith.constant 0 : i32
    %dma_start3A_21 = arith.constant 0 : i32
    %dma_start3A_22 = tpu.memref_slice %arg8[%dma_start3A_20, %dma_start3A_21] : memref<10000x16xf32, #tpu.memory_space<vmem_shared>> -> memref<10000x16xf32, #tpu.memory_space<vmem_shared>>
    tpu.enqueue_indirect_dma source(%arg7 : memref<125x16xf32, #tpu.memory_space<vmem>>) target(%dma_start3A_22 : memref<10000x16xf32, #tpu.memory_space<vmem_shared>>) offsets(%dma_start3A_19 : memref<125xi32, #tpu.memory_space<vmem>>) semaphore(%arg9 : memref<!tpu.dma_semaphore, #tpu.memory_space<semaphore_mem>>) {add = true}
    %scan3A = arith.constant 0 : i32
    %scan3A_23 = arith.constant 0 : i32
    %scan3A_24 = arith.constant 77 : i32
    %scan3A_25 = arith.addi %scan3A_23, %scan3A_24 : i32
    %scan3A_26 = arith.constant 1 : i32
    scf.for %scan3A_49 = %scan3A_23 to %scan3A_25 step %scan3A_26  : i32 {
      %add3A_50 = arith.constant 4 : i32
      %add3A_51 = arith.addi %scan3A_49, %add3A_50 : i32
      %sub3A = arith.constant 1 : i32
      %sub3A_52 = arith.subi %add3A_51, %sub3A : i32
      %dma_start3A_53 = arith.constant 0 : i32
      %dma_start3A_54 = tpu.memref_slice %arg6[%sub3A_52, %dma_start3A_53] : memref<80x125xi32, #tpu.memory_space<vmem>> -> memref<1x125xi32, #tpu.memory_space<vmem>>
      %dma_start3A_55 = tpu.memref_squeeze %dma_start3A_54 : memref<1x125xi32, #tpu.memory_space<vmem>> -> memref<125xi32, #tpu.memory_space<vmem>>
      %dma_start3A_56 = arith.constant 0 : i32
      %dma_start3A_57 = arith.constant 0 : i32
      %dma_start3A_58 = tpu.memref_slice %arg8[%dma_start3A_56, %dma_start3A_57] : memref<10000x16xf32, #tpu.memory_space<vmem_shared>> -> memref<10000x16xf32, #tpu.memory_space<vmem_shared>>
      tpu.enqueue_indirect_dma source(%arg7 : memref<125x16xf32, #tpu.memory_space<vmem>>) target(%dma_start3A_58 : memref<10000x16xf32, #tpu.memory_space<vmem_shared>>) offsets(%dma_start3A_55 : memref<125xi32, #tpu.memory_space<vmem>>) semaphore(%arg9 : memref<!tpu.dma_semaphore, #tpu.memory_space<semaphore_mem>>) {add = true}
      %dma_wait3A_59 = arith.constant 0 : i32
      %dma_wait3A_60 = tpu.memref_slice %arg6[%scan3A_49, %dma_wait3A_59] : memref<80x125xi32, #tpu.memory_space<vmem>> -> memref<1x125xi32, #tpu.memory_space<vmem>>
      %dma_wait3A_61 = tpu.memref_squeeze %dma_wait3A_60 : memref<1x125xi32, #tpu.memory_space<vmem>> -> memref<125xi32, #tpu.memory_space<vmem>>
      %dma_wait3A_62 = arith.constant 0 : i32
      %dma_wait3A_63 = arith.constant 0 : i32
      %dma_wait3A_64 = tpu.memref_slice %arg8[%dma_wait3A_62, %dma_wait3A_63] : memref<10000x16xf32, #tpu.memory_space<vmem_shared>> -> memref<10000x16xf32, #tpu.memory_space<vmem_shared>>
      tpu.wait_indirect_dma semaphore(%arg9 : memref<!tpu.dma_semaphore, #tpu.memory_space<semaphore_mem>>) src(%arg7 : memref<125x16xf32, #tpu.memory_space<vmem>>) dst(%dma_wait3A_64 : memref<10000x16xf32, #tpu.memory_space<vmem_shared>>)
    }
    %scan3A_27 = arith.constant 77 : i32
    %dma_wait3A = arith.constant 77 : i32
    %dma_wait3A_28 = arith.constant 0 : i32
    %dma_wait3A_29 = tpu.memref_slice %arg6[%dma_wait3A, %dma_wait3A_28] : memref<80x125xi32, #tpu.memory_space<vmem>> -> memref<1x125xi32, #tpu.memory_space<vmem>>
    %dma_wait3A_30 = tpu.memref_squeeze %dma_wait3A_29 : memref<1x125xi32, #tpu.memory_space<vmem>> -> memref<125xi32, #tpu.memory_space<vmem>>
    %dma_wait3A_31 = arith.constant 0 : i32
    %dma_wait3A_32 = arith.constant 0 : i32
    %dma_wait3A_33 = tpu.memref_slice %arg8[%dma_wait3A_31, %dma_wait3A_32] : memref<10000x16xf32, #tpu.memory_space<vmem_shared>> -> memref<10000x16xf32, #tpu.memory_space<vmem_shared>>
    tpu.wait_indirect_dma semaphore(%arg9 : memref<!tpu.dma_semaphore, #tpu.memory_space<semaphore_mem>>) src(%arg7 : memref<125x16xf32, #tpu.memory_space<vmem>>) dst(%dma_wait3A_33 : memref<10000x16xf32, #tpu.memory_space<vmem_shared>>)
    %dma_wait3A_34 = arith.constant 78 : i32
    %dma_wait3A_35 = arith.constant 0 : i32
    %dma_wait3A_36 = tpu.memref_slice %arg6[%dma_wait3A_34, %dma_wait3A_35] : memref<80x125xi32, #tpu.memory_space<vmem>> -> memref<1x125xi32, #tpu.memory_space<vmem>>
    %dma_wait3A_37 = tpu.memref_squeeze %dma_wait3A_36 : memref<1x125xi32, #tpu.memory_space<vmem>> -> memref<125xi32, #tpu.memory_space<vmem>>
    %dma_wait3A_38 = arith.constant 0 : i32
    %dma_wait3A_39 = arith.constant 0 : i32
    %dma_wait3A_40 = tpu.memref_slice %arg8[%dma_wait3A_38, %dma_wait3A_39] : memref<10000x16xf32, #tpu.memory_space<vmem_shared>> -> memref<10000x16xf32, #tpu.memory_space<vmem_shared>>
    tpu.wait_indirect_dma semaphore(%arg9 : memref<!tpu.dma_semaphore, #tpu.memory_space<semaphore_mem>>) src(%arg7 : memref<125x16xf32, #tpu.memory_space<vmem>>) dst(%dma_wait3A_40 : memref<10000x16xf32, #tpu.memory_space<vmem_shared>>)
    %dma_wait3A_41 = arith.constant 79 : i32
    %dma_wait3A_42 = arith.constant 0 : i32
    %dma_wait3A_43 = tpu.memref_slice %arg6[%dma_wait3A_41, %dma_wait3A_42] : memref<80x125xi32, #tpu.memory_space<vmem>> -> memref<1x125xi32, #tpu.memory_space<vmem>>
    %dma_wait3A_44 = tpu.memref_squeeze %dma_wait3A_43 : memref<1x125xi32, #tpu.memory_space<vmem>> -> memref<125xi32, #tpu.memory_space<vmem>>
    %dma_wait3A_45 = arith.constant 0 : i32
    %dma_wait3A_46 = arith.constant 0 : i32
    %dma_wait3A_47 = tpu.memref_slice %arg8[%dma_wait3A_45, %dma_wait3A_46] : memref<10000x16xf32, #tpu.memory_space<vmem_shared>> -> memref<10000x16xf32, #tpu.memory_space<vmem_shared>>
    tpu.wait_indirect_dma semaphore(%arg9 : memref<!tpu.dma_semaphore, #tpu.memory_space<semaphore_mem>>) src(%arg7 : memref<125x16xf32, #tpu.memory_space<vmem>>) dst(%dma_wait3A_47 : memref<10000x16xf32, #tpu.memory_space<vmem_shared>>)
    %barrier3A_48 = arith.constant 0 : index
    tpu.barrier barrier_id(%barrier3A_48)
    "tpu.region"() ({
      %run_scoped3A = tpu.sem_alloc : memref<!tpu.dma_semaphore, #tpu.memory_space<semaphore_mem>>
      %dma_start3A_49 = arith.constant 0 : i32
      %dma_start3A_50 = tpu.memref_slice %arg5[%arg0, %mul3A_2, %dma_start3A_49] : memref<2x10000x16xf32, #tpu.memory_space<hbm>> -> memref<1x640x16xf32, #tpu.memory_space<hbm>>
      %dma_start3A_51 = tpu.memref_squeeze %dma_start3A_50 : memref<1x640x16xf32, #tpu.memory_space<hbm>> -> memref<640x16xf32, #tpu.memory_space<hbm>>
      %dma_start3A_52 = arith.constant 0 : i32
      %dma_start3A_53 = tpu.memref_slice %arg8[%mul3A_2, %dma_start3A_52] : memref<10000x16xf32, #tpu.memory_space<vmem_shared>> -> memref<640x16xf32, #tpu.memory_space<vmem_shared>>
      tpu.enqueue_dma source(%dma_start3A_53 : memref<640x16xf32, #tpu.memory_space<vmem_shared>>) target(%dma_start3A_51 : memref<640x16xf32, #tpu.memory_space<hbm>>) target_semaphore(%run_scoped3A : memref<!tpu.dma_semaphore, #tpu.memory_space<semaphore_mem>>)
      %dma_wait3A_54 = arith.constant 0 : i32
      %dma_wait3A_55 = tpu.memref_slice %arg5[%arg0, %mul3A_2, %dma_wait3A_54] : memref<2x10000x16xf32, #tpu.memory_space<hbm>> -> memref<1x640x16xf32, #tpu.memory_space<hbm>>
      %dma_wait3A_56 = tpu.memref_squeeze %dma_wait3A_55 : memref<1x640x16xf32, #tpu.memory_space<hbm>> -> memref<640x16xf32, #tpu.memory_space<hbm>>
      %dma_wait3A_57 = arith.constant 0 : i32
      %dma_wait3A_58 = tpu.memref_slice %arg8[%mul3A_2, %dma_wait3A_57] : memref<10000x16xf32, #tpu.memory_space<vmem_shared>> -> memref<640x16xf32, #tpu.memory_space<vmem_shared>>
      tpu.wait_dma2 semaphore(%run_scoped3A : memref<!tpu.dma_semaphore, #tpu.memory_space<semaphore_mem>>) src(%dma_wait3A_58 : memref<640x16xf32, #tpu.memory_space<vmem_shared>>) dst(%dma_wait3A_56 : memref<640x16xf32, #tpu.memory_space<hbm>>)
      tpu.yield
    }) : () -> ()
    return
  }
}

module attributes {stable_mosaic.version = 14 : i64} {
  func.func @_tca_body(%arg0: i32, %arg1: memref<2000x128xf32, #tpu.memory_space<vmem>>, %arg2: memref<128x128xf32, #tpu.memory_space<vmem>>, %arg3: memref<128x128xf32, #tpu.memory_space<vmem>>, %arg4: memref<1x128xf32, #tpu.memory_space<vmem>>, %arg5: memref<2x2000x16xf32, #tpu.memory_space<vmem>>, %arg6: memref<2000x128xbf16, #tpu.memory_space<vmem>>, %arg7: memref<2000x128xf32, #tpu.memory_space<vmem>>, %arg8: memref<1x128xf32, #tpu.memory_space<vmem>>) attributes {dimension_semantics = [#tpu.dimension_semantics<arbitrary>], iteration_bounds = array<i64: 5>, scalar_prefetch = 0 : i64, scratch_operands = 0 : i64, tpu.core_type = #tpu.core_type<tc>, window_params = [{transform_indices = @transform_0, window_bounds = array<i64: 2000, 128>}, {pipeline_mode = #tpu.pipeline_mode<synchronous>, transform_indices = @transform_1, window_bounds = array<i64: 128, 128>}, {pipeline_mode = #tpu.pipeline_mode<synchronous>, transform_indices = @transform_2, window_bounds = array<i64: 128, 128>}, {pipeline_mode = #tpu.pipeline_mode<synchronous>, transform_indices = @transform_3, window_bounds = array<i64: 1, 128>}, {transform_indices = @transform_4, window_bounds = array<i64: 2, 2000, 16>}, {transform_indices = @transform_5, window_bounds = array<i64: 2000, 128>}, {transform_indices = @transform_6, window_bounds = array<i64: 2000, 128>}, {pipeline_mode = #tpu.pipeline_mode<synchronous>, transform_indices = @transform_7, window_bounds = array<i64: 1, 128>}]} {
    %get3A = arith.constant 0 : index
    %get3A_0 = arith.constant 0 : index
    %get3A_1 = vector.load %arg1[%get3A, %get3A_0] : memref<2000x128xf32, #tpu.memory_space<vmem>>, vector<2000x128xf32>
    %get3A_2 = arith.constant 0 : index
    %get3A_3 = arith.constant 0 : index
    %get3A_4 = arith.constant 0 : index
    %get3A_5 = vector.load %arg5[%get3A_2, %get3A_3, %get3A_4] : memref<2x2000x16xf32, #tpu.memory_space<vmem>>, vector<1x2000x16xf32>
    %get3A_6 = vector.shape_cast %get3A_5 : vector<1x2000x16xf32> to vector<2000x16xf32>
    %get3A_7 = arith.constant 1 : index
    %get3A_8 = arith.constant 0 : index
    %get3A_9 = arith.constant 0 : index
    %get3A_10 = vector.load %arg5[%get3A_7, %get3A_8, %get3A_9] : memref<2x2000x16xf32, #tpu.memory_space<vmem>>, vector<1x2000x16xf32>
    %get3A_11 = vector.shape_cast %get3A_10 : vector<1x2000x16xf32> to vector<2000x16xf32>
    %add3A = arith.addf %get3A_6, %get3A_11 : vector<2000x16xf32>
    %slice3A = vector.extract_strided_slice %add3A {offsets = [0, 0], sizes = [2000, 1], strides = [1, 1]} : vector<2000x16xf32> to vector<2000x1xf32>
    %gt3A = arith.constant 0.000000e+00 : f32
    %gt3A_12 = vector.broadcast %gt3A : f32 to vector<2000x1xf32>
    %gt3A_13 = arith.cmpf ogt, %slice3A, %gt3A_12 : vector<2000x1xf32>
    %max3A = arith.constant 9.99999996E-13 : f32
    %max3A_14 = vector.broadcast %max3A : f32 to vector<2000x1xf32>
    %max3A_15 = arith.maximumf %slice3A, %max3A_14 : vector<2000x1xf32>
    %rsqrt3A = math.rsqrt %max3A_15 : vector<2000x1xf32>
    %jit3A = arith.constant 0.000000e+00 : f32
    %broadcast_in_dim3A = vector.broadcast %jit3A : f32 to vector<2000x1xf32>
    %select_n3A = arith.select %gt3A_13, %rsqrt3A, %broadcast_in_dim3A : vector<2000x1xi1>, vector<2000x1xf32>
    %get3A_16 = arith.constant 0 : index
    %get3A_17 = arith.constant 0 : index
    %get3A_18 = vector.load %arg2[%get3A_16, %get3A_17] : memref<128x128xf32, #tpu.memory_space<vmem>>, vector<128x128xf32>
    %dot_general3A = arith.constant dense<0.000000e+00> : vector<2000x128xf32>
    %dot_general3A_19 = tpu.matmul %get3A_1, %get3A_18, %dot_general3A {dimension_numbers = #tpu.dot_dimension_numbers<[1], [1], [0], [0], [0, 0, 1, 0], [], []>, precision = #tpu.contract_precision<fp32>, transpose_lhs_hint = false} : vector<2000x128xf32>, vector<128x128xf32>, vector<2000x128xf32> -> vector<2000x128xf32>
    %mul3A = vector.broadcast %select_n3A : vector<2000x1xf32> to vector<2000x128xf32>
    %mul3A_20 = arith.mulf %dot_general3A_19, %mul3A : vector<2000x128xf32>
    %convert_element_type3A = arith.truncf %mul3A_20 : vector<2000x128xf32> to vector<2000x128xbf16>
    %swap3A = arith.constant 0 : index
    %swap3A_21 = arith.constant 0 : index
    %swap3A_22 = vector.load %arg6[%swap3A, %swap3A_21] : memref<2000x128xbf16, #tpu.memory_space<vmem>>, vector<2000x128xbf16>
    tpu.vector_store %arg6[%swap3A, %swap3A_21], %convert_element_type3A {strides = array<i32>} : memref<2000x128xbf16, #tpu.memory_space<vmem>>, vector<2000x128xbf16>,
    %get3A_23 = arith.constant 0 : index
    %get3A_24 = arith.constant 0 : index
    %get3A_25 = vector.load %arg3[%get3A_23, %get3A_24] : memref<128x128xf32, #tpu.memory_space<vmem>>, vector<128x128xf32>
    %dot_general3A_26 = arith.constant dense<0.000000e+00> : vector<2000x128xf32>
    %dot_general3A_27 = tpu.matmul %get3A_1, %get3A_25, %dot_general3A_26 {dimension_numbers = #tpu.dot_dimension_numbers<[1], [1], [0], [0], [0, 0, 1, 0], [], []>, precision = #tpu.contract_precision<fp32>, transpose_lhs_hint = false} : vector<2000x128xf32>, vector<128x128xf32>, vector<2000x128xf32> -> vector<2000x128xf32>
    %get3A_28 = arith.constant 0 : index
    %get3A_29 = arith.constant 0 : index
    %get3A_30 = vector.load %arg4[%get3A_28, %get3A_29] : memref<1x128xf32, #tpu.memory_space<vmem>>, vector<1x128xf32>
    %add3A_31 = vector.broadcast %get3A_30 : vector<1x128xf32> to vector<2000x128xf32>
    %add3A_32 = arith.addf %dot_general3A_27, %add3A_31 : vector<2000x128xf32>
    %swap3A_33 = arith.constant 0 : index
    %swap3A_34 = arith.constant 0 : index
    %swap3A_35 = vector.load %arg7[%swap3A_33, %swap3A_34] : memref<2000x128xf32, #tpu.memory_space<vmem>>, vector<2000x128xf32>
    tpu.vector_store %arg7[%swap3A_33, %swap3A_34], %add3A_32 {strides = array<i32>} : memref<2000x128xf32, #tpu.memory_space<vmem>>, vector<2000x128xf32>,
    %reduce_sum3A = arith.constant dense<0.000000e+00> : vector<128xf32>
    %reduce_sum3A_36 = vector.multi_reduction <add>, %get3A_1, %reduce_sum3A [0] : vector<2000x128xf32> to vector<128xf32>
    %broadcast_in_dim3A_37 = vector.shape_cast %reduce_sum3A_36 : vector<128xf32> to vector<1x128xf32>
    %eq3A = arith.constant 0 : i32
    %eq3A_38 = arith.cmpi eq, %arg0, %eq3A : i32
    %convert_element_type3A_39 = arith.extui %eq3A_38 : i1 to i32
    %cond3A = arith.constant 0 : i32
    %cond3A_40 = arith.cmpi ne, %convert_element_type3A_39, %cond3A : i32
    scf.if %cond3A_40 {
      %swap3A_45 = arith.constant 0 : index
      %swap3A_46 = arith.constant 0 : index
      %swap3A_47 = vector.load %arg8[%swap3A_45, %swap3A_46] : memref<1x128xf32, #tpu.memory_space<vmem>>, vector<1x128xf32>
      tpu.vector_store %arg8[%swap3A_45, %swap3A_46], %broadcast_in_dim3A_37 {strides = array<i32>} : memref<1x128xf32, #tpu.memory_space<vmem>>, vector<1x128xf32>,
    } else {
    }
    %ne3A = arith.constant 0 : i32
    %ne3A_41 = arith.cmpi ne, %arg0, %ne3A : i32
    %convert_element_type3A_42 = arith.extui %ne3A_41 : i1 to i32
    %cond3A_43 = arith.constant 0 : i32
    %cond3A_44 = arith.cmpi ne, %convert_element_type3A_42, %cond3A_43 : i32
    scf.if %cond3A_44 {
      %get3A_45 = arith.constant 0 : index
      %get3A_46 = arith.constant 0 : index
      %get3A_47 = vector.load %arg8[%get3A_45, %get3A_46] : memref<1x128xf32, #tpu.memory_space<vmem>>, vector<1x128xf32>
      %add3A_48 = arith.addf %get3A_47, %broadcast_in_dim3A_37 : vector<1x128xf32>
      %swap3A_49 = arith.constant 0 : index
      %swap3A_50 = arith.constant 0 : index
      %swap3A_51 = vector.load %arg8[%swap3A_49, %swap3A_50] : memref<1x128xf32, #tpu.memory_space<vmem>>, vector<1x128xf32>
      tpu.vector_store %arg8[%swap3A_49, %swap3A_50], %add3A_48 {strides = array<i32>} : memref<1x128xf32, #tpu.memory_space<vmem>>, vector<1x128xf32>,
    } else {
    }
    return
  }
  func.func @transform_0(%arg0: i32) -> (i32, i32) {
    %c0_i32 = arith.constant 0 : i32
    %c0_i32_0 = arith.constant 0 : i32
    return %arg0, %c0_i32 : i32, i32
  }
  func.func @transform_1(%arg0: i32) -> (i32, i32) {
    %c0_i32 = arith.constant 0 : i32
    %c0_i32_0 = arith.constant 0 : i32
    %c0_i32_1 = arith.constant 0 : i32
    return %c0_i32, %c0_i32_0 : i32, i32
  }
  func.func @transform_2(%arg0: i32) -> (i32, i32) {
    %c0_i32 = arith.constant 0 : i32
    %c0_i32_0 = arith.constant 0 : i32
    %c0_i32_1 = arith.constant 0 : i32
    return %c0_i32, %c0_i32_0 : i32, i32
  }
  func.func @transform_3(%arg0: i32) -> (i32, i32) {
    %c0_i32 = arith.constant 0 : i32
    %c0_i32_0 = arith.constant 0 : i32
    %c0_i32_1 = arith.constant 0 : i32
    return %c0_i32, %c0_i32_0 : i32, i32
  }
  func.func @transform_4(%arg0: i32) -> (i32, i32, i32) {
    %c0_i32 = arith.constant 0 : i32
    %c0_i32_0 = arith.constant 0 : i32
    %c0_i32_1 = arith.constant 0 : i32
    return %c0_i32, %arg0, %c0_i32_0 : i32, i32, i32
  }
  func.func @transform_5(%arg0: i32) -> (i32, i32) {
    %c0_i32 = arith.constant 0 : i32
    %c0_i32_0 = arith.constant 0 : i32
    return %arg0, %c0_i32 : i32, i32
  }
  func.func @transform_6(%arg0: i32) -> (i32, i32) {
    %c0_i32 = arith.constant 0 : i32
    %c0_i32_0 = arith.constant 0 : i32
    return %arg0, %c0_i32 : i32, i32
  }
  func.func @transform_7(%arg0: i32) -> (i32, i32) {
    %c0_i32 = arith.constant 0 : i32
    %c0_i32_0 = arith.constant 0 : i32
    %c0_i32_1 = arith.constant 0 : i32
    return %c0_i32, %c0_i32_0 : i32, i32
  }
}

module attributes {stable_mosaic.version = 14 : i64} {
  func.func @_tcb_body(%arg0: i32, %arg1: memref<2x2000x128xbf16, #tpu.memory_space<vmem>>, %arg2: memref<2x2000x16xf32, #tpu.memory_space<vmem>>, %arg3: memref<1x128xf32, #tpu.memory_space<vmem>>, %arg4: memref<1x128xf32, #tpu.memory_space<vmem>>, %arg5: memref<128x128xf32, #tpu.memory_space<vmem>>, %arg6: memref<128x128xf32, #tpu.memory_space<vmem>>, %arg7: memref<2000x128xf32, #tpu.memory_space<vmem>>, %arg8: memref<1x1xf32, #tpu.memory_space<vmem>>) attributes {dimension_semantics = [#tpu.dimension_semantics<arbitrary>], iteration_bounds = array<i64: 5>, scalar_prefetch = 0 : i64, scratch_operands = 0 : i64, tpu.core_type = #tpu.core_type<tc>, window_params = [{transform_indices = @transform_0, window_bounds = array<i64: 2, 2000, 128>}, {transform_indices = @transform_1, window_bounds = array<i64: 2, 2000, 16>}, {pipeline_mode = #tpu.pipeline_mode<synchronous>, transform_indices = @transform_2, window_bounds = array<i64: 1, 128>}, {pipeline_mode = #tpu.pipeline_mode<synchronous>, transform_indices = @transform_3, window_bounds = array<i64: 1, 128>}, {pipeline_mode = #tpu.pipeline_mode<synchronous>, transform_indices = @transform_4, window_bounds = array<i64: 128, 128>}, {pipeline_mode = #tpu.pipeline_mode<synchronous>, transform_indices = @transform_5, window_bounds = array<i64: 128, 128>}, {transform_indices = @transform_6, window_bounds = array<i64: 2000, 128>}, {pipeline_mode = #tpu.pipeline_mode<synchronous>, transform_indices = @transform_7, window_bounds = array<i64: 1, 1>}]} {
    %get3A = arith.constant 0 : index
    %get3A_0 = arith.constant 0 : index
    %get3A_1 = arith.constant 0 : index
    %get3A_2 = vector.load %arg2[%get3A, %get3A_0, %get3A_1] : memref<2x2000x16xf32, #tpu.memory_space<vmem>>, vector<1x2000x16xf32>
    %get3A_3 = vector.shape_cast %get3A_2 : vector<1x2000x16xf32> to vector<2000x16xf32>
    %get3A_4 = arith.constant 1 : index
    %get3A_5 = arith.constant 0 : index
    %get3A_6 = arith.constant 0 : index
    %get3A_7 = vector.load %arg2[%get3A_4, %get3A_5, %get3A_6] : memref<2x2000x16xf32, #tpu.memory_space<vmem>>, vector<1x2000x16xf32>
    %get3A_8 = vector.shape_cast %get3A_7 : vector<1x2000x16xf32> to vector<2000x16xf32>
    %add3A = arith.addf %get3A_3, %get3A_8 : vector<2000x16xf32>
    %slice3A = vector.extract_strided_slice %add3A {offsets = [0, 0], sizes = [2000, 1], strides = [1, 1]} : vector<2000x16xf32> to vector<2000x1xf32>
    %gt3A = arith.constant 0.000000e+00 : f32
    %gt3A_9 = vector.broadcast %gt3A : f32 to vector<2000x1xf32>
    %gt3A_10 = arith.cmpf ogt, %slice3A, %gt3A_9 : vector<2000x1xf32>
    %max3A = arith.constant 9.99999996E-13 : f32
    %max3A_11 = vector.broadcast %max3A : f32 to vector<2000x1xf32>
    %max3A_12 = arith.maximumf %slice3A, %max3A_11 : vector<2000x1xf32>
    %rsqrt3A = math.rsqrt %max3A_12 : vector<2000x1xf32>
    %jit3A = arith.constant 0.000000e+00 : f32
    %broadcast_in_dim3A = vector.broadcast %jit3A : f32 to vector<2000x1xf32>
    %select_n3A = arith.select %gt3A_10, %rsqrt3A, %broadcast_in_dim3A : vector<2000x1xi1>, vector<2000x1xf32>
    %get3A_13 = arith.constant 0 : index
    %get3A_14 = arith.constant 0 : index
    %get3A_15 = arith.constant 0 : index
    %get3A_16 = vector.load %arg1[%get3A_13, %get3A_14, %get3A_15] : memref<2x2000x128xbf16, #tpu.memory_space<vmem>>, vector<1x2000x128xbf16>
    %get3A_17 = vector.shape_cast %get3A_16 : vector<1x2000x128xbf16> to vector<2000x128xbf16>
    %convert_element_type3A = arith.extf %get3A_17 : vector<2000x128xbf16> to vector<2000x128xf32>
    %get3A_18 = arith.constant 1 : index
    %get3A_19 = arith.constant 0 : index
    %get3A_20 = arith.constant 0 : index
    %get3A_21 = vector.load %arg1[%get3A_18, %get3A_19, %get3A_20] : memref<2x2000x128xbf16, #tpu.memory_space<vmem>>, vector<1x2000x128xbf16>
    %get3A_22 = vector.shape_cast %get3A_21 : vector<1x2000x128xbf16> to vector<2000x128xbf16>
    %convert_element_type3A_23 = arith.extf %get3A_22 : vector<2000x128xbf16> to vector<2000x128xf32>
    %add3A_24 = arith.addf %convert_element_type3A, %convert_element_type3A_23 : vector<2000x128xf32>
    %mul3A = vector.broadcast %select_n3A : vector<2000x1xf32> to vector<2000x128xf32>
    %mul3A_25 = arith.mulf %add3A_24, %mul3A : vector<2000x128xf32>
    %get3A_26 = arith.constant 0 : index
    %get3A_27 = arith.constant 0 : index
    %get3A_28 = vector.load %arg3[%get3A_26, %get3A_27] : memref<1x128xf32, #tpu.memory_space<vmem>>, vector<1x128xf32>
    %add3A_29 = vector.broadcast %get3A_28 : vector<1x128xf32> to vector<2000x128xf32>
    %add3A_30 = arith.addf %mul3A_25, %add3A_29 : vector<2000x128xf32>
    %swap3A = arith.constant 0 : index
    %swap3A_31 = arith.constant 0 : index
    %swap3A_32 = vector.load %arg7[%swap3A, %swap3A_31] : memref<2000x128xf32, #tpu.memory_space<vmem>>, vector<2000x128xf32>
    tpu.vector_store %arg7[%swap3A, %swap3A_31], %add3A_30 {strides = array<i32>} : memref<2000x128xf32, #tpu.memory_space<vmem>>, vector<2000x128xf32>,
    %eq3A = arith.constant 0 : i32
    %eq3A_33 = arith.cmpi eq, %arg0, %eq3A : i32
    %convert_element_type3A_34 = arith.extui %eq3A_33 : i1 to i32
    %cond3A = arith.constant 0 : i32
    %cond3A_35 = arith.cmpi ne, %convert_element_type3A_34, %cond3A : i32
    scf.if %cond3A_35 {
      %get3A_36 = arith.constant 0 : index
      %get3A_37 = arith.constant 0 : index
      %get3A_38 = vector.load %arg4[%get3A_36, %get3A_37] : memref<1x128xf32, #tpu.memory_space<vmem>>, vector<1x128xf32>
      %div3A = arith.constant 1.000000e+04 : f32
      %div3A_39 = vector.broadcast %div3A : f32 to vector<1x128xf32>
      %div3A_40 = arith.divf %get3A_38, %div3A_39 : vector<1x128xf32>
      %get3A_41 = arith.constant 0 : index
      %get3A_42 = arith.constant 0 : index
      %get3A_43 = vector.load %arg5[%get3A_41, %get3A_42] : memref<128x128xf32, #tpu.memory_space<vmem>>, vector<128x128xf32>
      %get3A_44 = arith.constant 0 : index
      %get3A_45 = arith.constant 0 : index
      %get3A_46 = vector.load %arg6[%get3A_44, %get3A_45] : memref<128x128xf32, #tpu.memory_space<vmem>>, vector<128x128xf32>
      %mul3A_47 = arith.constant 3.200000e+01 : f32
      %mul3A_48 = vector.broadcast %mul3A_47 : f32 to vector<128x128xf32>
      %mul3A_49 = arith.mulf %mul3A_48, %get3A_43 : vector<128x128xf32>
      %mul3A_50 = arith.constant 2.000000e+00 : f32
      %mul3A_51 = vector.broadcast %mul3A_50 : f32 to vector<128x128xf32>
      %mul3A_52 = arith.mulf %mul3A_51, %get3A_46 : vector<128x128xf32>
      %add3A_53 = arith.addf %mul3A_49, %mul3A_52 : vector<128x128xf32>
      %dot_general3A = arith.constant dense<0.000000e+00> : vector<1x128xf32>
      %dot_general3A_54 = tpu.matmul %div3A_40, %add3A_53, %dot_general3A {dimension_numbers = #tpu.dot_dimension_numbers<[1], [1], [0], [0], [0, 0, 1, 0], [], []>, precision = #tpu.contract_precision<fp32>, transpose_lhs_hint = false} : vector<1x128xf32>, vector<128x128xf32>, vector<1x128xf32> -> vector<1x128xf32>
      %mul3A_55 = arith.mulf %dot_general3A_54, %dot_general3A_54 : vector<1x128xf32>
      %reduce_sum3A = vector.shape_cast %mul3A_55 : vector<1x128xf32> to vector<1x1x128xf32>
      %reduce_sum3A_56 = arith.constant dense<0.000000e+00> : vector<1xf32>
      %reduce_sum3A_57 = vector.multi_reduction <add>, %reduce_sum3A, %reduce_sum3A_56 [1, 2] : vector<1x1x128xf32> to vector<1xf32>
      %reduce_sum3A_58 = vector.shape_cast %reduce_sum3A_57 : vector<1xf32> to vector<1x1x1xf32>
      %reduce_sum3A_59 = vector.extract %reduce_sum3A_58[0, 0, 0] : f32 from vector<1x1x1xf32>
      %sqrt3A = math.sqrt %reduce_sum3A_59 : f32
      %mul3A_60 = arith.constant 1.600000e+01 : f32
      %mul3A_61 = vector.broadcast %mul3A_60 : f32 to vector<128x128xf32>
      %mul3A_62 = arith.mulf %mul3A_61, %get3A_43 : vector<128x128xf32>
      %add3A_63 = arith.addf %get3A_46, %mul3A_62 : vector<128x128xf32>
      %dot_general3A_64 = arith.constant dense<0.000000e+00> : vector<1x128xf32>
      %dot_general3A_65 = tpu.matmul %div3A_40, %add3A_63, %dot_general3A_64 {dimension_numbers = #tpu.dot_dimension_numbers<[1], [0], [0], [1], [0, 0, 1, 1], [], []>, precision = #tpu.contract_precision<fp32>, transpose_lhs_hint = false} : vector<1x128xf32>, vector<128x128xf32>, vector<1x128xf32> -> vector<1x128xf32>
      %neg3A = arith.constant 0.000000e+00 : f32
      %neg3A_66 = arith.constant 1.000000e+04 : f32
      %neg3A_67 = arith.subf %neg3A, %neg3A_66 : f32
      %mul3A_68 = arith.mulf %dot_general3A_65, %div3A_40 : vector<1x128xf32>
      %reduce_sum3A_69 = vector.shape_cast %mul3A_68 : vector<1x128xf32> to vector<1x1x128xf32>
      %reduce_sum3A_70 = arith.constant dense<0.000000e+00> : vector<1xf32>
      %reduce_sum3A_71 = vector.multi_reduction <add>, %reduce_sum3A_69, %reduce_sum3A_70 [1, 2] : vector<1x1x128xf32> to vector<1xf32>
      %reduce_sum3A_72 = vector.shape_cast %reduce_sum3A_71 : vector<1xf32> to vector<1x1x1xf32>
      %reduce_sum3A_73 = vector.extract %reduce_sum3A_72[0, 0, 0] : f32 from vector<1x1x1xf32>
      %mul3A_74 = arith.mulf %neg3A_67, %reduce_sum3A_73 : f32
      %min3A = arith.constant 2.000000e+01 : f32
      %min3A_75 = arith.minimumf %sqrt3A, %min3A : f32
      %max3A_76 = arith.constant 9.99999996E-13 : f32
      %max3A_77 = arith.maximumf %sqrt3A, %max3A_76 : f32
      %log3A = math.log %max3A_77 : f32
      %sub3A = arith.subf %sqrt3A, %log3A : f32
      %mul3A_78 = arith.constant 1.000000e+04 : f32
      %mul3A_79 = arith.mulf %mul3A_78, %sub3A : f32
      %exp3A = math.exp %min3A_75 : f32
      %neg3A_80 = arith.constant 0.000000e+00 : f32
      %neg3A_81 = arith.subf %neg3A_80, %min3A_75 : f32
      %exp3A_82 = math.exp %neg3A_81 : f32
      %sub3A_83 = arith.subf %exp3A, %exp3A_82 : f32
      %max3A_84 = arith.constant 9.99999996E-13 : f32
      %max3A_85 = arith.maximumf %min3A_75, %max3A_84 : f32
      %div3A_86 = arith.divf %sub3A_83, %max3A_85 : f32
      %log3A_87 = math.log %div3A_86 : f32
      %mul3A_88 = arith.constant 1.000000e+04 : f32
      %mul3A_89 = arith.mulf %mul3A_88, %log3A_87 : f32
      %gt3A_90 = arith.constant 2.000000e+01 : f32
      %gt3A_91 = arith.cmpf ogt, %sqrt3A, %gt3A_90 : f32
      %select_n3A_92 = arith.select %gt3A_91, %mul3A_79, %mul3A_89 : f32
      %add3A_93 = arith.addf %mul3A_74, %select_n3A_92 : f32
      %broadcast_in_dim3A_94 = arith.constant 0.000000e+00 : f32
      %broadcast_in_dim3A_95 = vector.broadcast %broadcast_in_dim3A_94 : f32 to vector<1x1xf32>
      %add3A_96 = vector.broadcast %add3A_93 : f32 to vector<1x1xf32>
      %add3A_97 = arith.addf %broadcast_in_dim3A_95, %add3A_96 : vector<1x1xf32>
      %swap3A_98 = arith.constant 0 : index
      %swap3A_99 = arith.constant 0 : index
      %swap3A_100 = vector.load %arg8[%swap3A_98, %swap3A_99] : memref<1x1xf32, #tpu.memory_space<vmem>>, vector<1x1xf32>
      tpu.vector_store %arg8[%swap3A_98, %swap3A_99], %add3A_97 {strides = array<i32>} : memref<1x1xf32, #tpu.memory_space<vmem>>, vector<1x1xf32>,
    } else {
    }
    return
  }
  func.func @transform_0(%arg0: i32) -> (i32, i32, i32) {
    %c0_i32 = arith.constant 0 : i32
    %c0_i32_0 = arith.constant 0 : i32
    %c0_i32_1 = arith.constant 0 : i32
    return %c0_i32, %arg0, %c0_i32_0 : i32, i32, i32
  }
  func.func @transform_1(%arg0: i32) -> (i32, i32, i32) {
    %c0_i32 = arith.constant 0 : i32
    %c0_i32_0 = arith.constant 0 : i32
    %c0_i32_1 = arith.constant 0 : i32
    return %c0_i32, %arg0, %c0_i32_0 : i32, i32, i32
  }
  func.func @transform_2(%arg0: i32) -> (i32, i32) {
    %c0_i32 = arith.constant 0 : i32
    %c0_i32_0 = arith.constant 0 : i32
    %c0_i32_1 = arith.constant 0 : i32
    return %c0_i32, %c0_i32_0 : i32, i32
  }
  func.func @transform_3(%arg0: i32) -> (i32, i32) {
    %c0_i32 = arith.constant 0 : i32
    %c0_i32_0 = arith.constant 0 : i32
    %c0_i32_1 = arith.constant 0 : i32
    return %c0_i32, %c0_i32_0 : i32, i32
  }
  func.func @transform_4(%arg0: i32) -> (i32, i32) {
    %c0_i32 = arith.constant 0 : i32
    %c0_i32_0 = arith.constant 0 : i32
    %c0_i32_1 = arith.constant 0 : i32
    return %c0_i32, %c0_i32_0 : i32, i32
  }
  func.func @transform_5(%arg0: i32) -> (i32, i32) {
    %c0_i32 = arith.constant 0 : i32
    %c0_i32_0 = arith.constant 0 : i32
    %c0_i32_1 = arith.constant 0 : i32
    return %c0_i32, %c0_i32_0 : i32, i32
  }
  func.func @transform_6(%arg0: i32) -> (i32, i32) {
    %c0_i32 = arith.constant 0 : i32
    %c0_i32_0 = arith.constant 0 : i32
    return %arg0, %c0_i32 : i32, i32
  }
  func.func @transform_7(%arg0: i32) -> (i32, i32) {
    %c0_i32 = arith.constant 0 : i32
    %c0_i32_0 = arith.constant 0 : i32
    %c0_i32_1 = arith.constant 0 : i32
    return %c0_i32, %c0_i32_0 : i32, i32
  }
}

</mosaic_0001>

<sc_bundles>
// kernel: kernel.6.cloned.1.call-start
scs
__scs_entry_jumppad:
0x0: {  	(pc) =	sbr.rel $0x88, $3  }
0x1: {  	(tag) =	ssettag $0x0;
	lr =	simm.s32 $0x1  }
0x2: {  	[smem:$0x3F9B] =	sst lr;
	_ =	strace $0xD0000000  }
0x3: {  	_ = 	snop  }
0x4: {  	_ = 	snop  }
0x5: {  	_ = 	snop  }
0x6: {  	_ = 	snop  }
0x7: {  	_ = 	snop  }
__scs_overlays_trampoline_lowered:
0x8: {  	[smem:$0x3FAA] =	sst s0  }
0x9: {  	[smem:$0x3FAB] =	sst s1  }
0xa: {  	[smem:$0x3FAC] =	sst s2  }
0xb: {  	[smem:$0x3FAD] =	sst s3  }
0xc: {  	[smem:$0x3FAE] =	sst s4  }
0xd: {  	[smem:$0x3FAF] =	sst s5  }
0xe: {  	[smem:$0x3FB0] =	sst s6  }
0xf: {  	[smem:$0x3FB1] =	sst s7  }
0x10: {  	[smem:$0x3FB2] =	sst s8  }
0x11: {  	[smem:$0x3FB3] =	sst s9;
	s0 =	simm.s32 @!p0 $0x0  }
0x12: {  	s1 =	sld [smem:$0x3F99];
	s0 =	simm.s32 @p0 $0x1  }
0x13: {  	[smem:$0x3FB4] =	sst s0;
	s0 =	simm.s32 @!p1 $0x0  }
0x14: {  	s2 =	sld [smem:$0x3F98];
	s0 =	simm.s32 @p1 $0x1  }
0x15: {  	[smem:$0x3FB5] =	sst s0;
	s0 =	simm.s32 @!p2 $0x0  }
0x16: {  	s3 =	sld [smem:$0x3FDB];
	s0 =	simm.s32 @p2 $0x1  }
0x17: {  	s4 =	simm.s32 $0x1BF5;
	[smem:$0x3FB7] =	sst s0  }
0x18: {  	s0 =	sld [smem:$0x3F9A];
	_ =	swait.ge [sflag:s4], $0x0  }
0x19: {  	s7 =	sld [smem:$0x3F9B]  }
0x1a: {  	s8 =	sadd.s32 $0xFFFFE003, lr  }
0x1b: {  	s9 =	sadd.s32 $0xFFFFFEF7, lr;
	s5 =	simm.s32 $0xFFFFFFFF;
	p2 =	slt.u32 s8, $0xFFFFF086  }
0x1c: {  	p1 =	slt.u32 s9, $0xF7A;
	s5 =	simm.s32 @!p2 $0x0  }
0x1d: {  	s5 =	simm.s32 @p1 $0x1;
	p0 =	seq.s32 s7, s2  }
0x1e: {  	s7 =	smul.u32 @!p0 $0xF7A, s2;
	p2 =	seq.s32 @!p0 s5, $0x0  }
0x1f: {  	s9 =	smul.u32 $0xF7A, s1;
	s8 =	simm.s32 @!p0 $0x1BF5;
	p2 =	por !p2, p0  }
0x20: {  	[sflag:s8] =	ssyncset.s32 @!p0 $0xFFFFF086;
	s6 =	sadd.s32 @!p0 s3, s7;
	s7 =	simm.s32 @!p0 $0x108  }
0x21: {  	s3 =	sadd.s32 s3, s9;
	s6 =	sadd.s32 @!p0 $0x88, s6;
	s7 =	simm.s32 @p2 $0x1082  }
0x22: {  	[simem:s7], [sflag:s8] =	dma.local @!p0 [hbm:s6], $0xF7A  }
0x23: {  	s9 =	sor.u32 $0xD0000000, s2;
	s6 =	simm.s32 $0x108;
	_ =	swait.ge @!p0 [sflag:s8], $0x0  }
0x24: {  	s3 =	sadd.s32 $0x88, s3;
	s6 =	simm.s32 @!p1 $0x1082;
	[sflag:s4] =	ssyncset.s32 $0xFFFFF086  }
0x25: {  	[simem:s6], [sflag:s4] =	dma.local [hbm:s3], $0xF7A  }
0x26: {  	[smem:$0x3F9B] =	sst s1;
	(tag) =	ssettag s2;
	_ =	strace s9  }
0x27: {  	s1 =	sld [smem:$0x3FAB]  }
0x28: {  	s2 =	sld [smem:$0x3FAC]  }
0x29: {  	s4 =	sld [smem:$0x3FAE]  }
0x2a: {  	p0 =	seq.s32 s5, $0x0;
	s5 =	sld [smem:$0x3FAF]  }
0x2b: {  	s6 =	sld [smem:$0x3FB0]  }
0x2c: {  	s7 =	sld [smem:$0x3FB1]  }
0x2d: {  	s3 =	simm.s32 $0x108;
	s8 =	sld [smem:$0x3FB2]  }
0x2e: {  	s3 =	simm.s32 @!p0 $0x1082;
	s9 =	sld [smem:$0x3FB3]  }
0x2f: {  	lr =	sadd.s32 s0, s3;
	s0 =	sld [smem:$0x3FAA]  }
0x30: {  	s3 =	sld [smem:$0x3FAD]  }
0x31: {  	[smem:$0x3FB6] =	sst s10  }
0x32: {  	s10 =	sld [smem:$0x3FB4];
	_ =	sdelay $0x3  }
0x33: {  	p0 =	seq.s32 s10, $0x1;
	s10 =	sld [smem:$0x3FB6];
	_ =	sdelay $0x3  }
0x34: {  	[smem:$0x3FB6] =	sst s10  }
0x35: {  	s10 =	sld [smem:$0x3FB5];
	_ =	sdelay $0x3  }
0x36: {  	p1 =	seq.s32 s10, $0x1;
	s10 =	sld [smem:$0x3FB6];
	_ =	sdelay $0x3  }
0x37: {  	[smem:$0x3FB6] =	sst s10  }
0x38: {  	s10 =	sld [smem:$0x3FB7]  }
0x39: {  	_ = 	snop;
	(pc) =	sbr.ind lr, $3  }
0x3a: {  	_ = 	snop  }
0x3b: {  	_ = 	snop  }
0x3c: {  	p2 =	seq.s32 s10, $0x1;
	s10 =	sld [smem:$0x3FB6]  }
0x3d: {  	_ =	shalt  }
0x3e: {  	_ =	shalt  }
0x3f: {  	_ =	shalt  }
0x40: {  	_ =	shalt  }
0x41: {  	_ =	shalt  }
0x42: {  	_ =	shalt  }
0x43: {  	_ =	shalt  }
0x44: {  	_ =	shalt  }
0x45: {  	_ =	shalt  }
0x46: {  	_ =	shalt  }
0x47: {  	_ =	shalt  }
0x48: {  	_ =	shalt  }
0x49: {  	_ =	shalt  }
0x4a: {  	_ =	shalt  }
0x4b: {  	_ =	shalt  }
0x4c: {  	_ =	shalt  }
0x4d: {  	_ =	shalt  }
0x4e: {  	_ =	shalt  }
0x4f: {  	_ =	shalt  }
0x50: {  	_ =	shalt  }
0x51: {  	_ =	shalt  }
0x52: {  	_ =	shalt  }
0x53: {  	_ =	shalt  }
0x54: {  	_ =	shalt  }
0x55: {  	_ =	shalt  }
0x56: {  	_ =	shalt  }
0x57: {  	_ =	shalt  }
0x58: {  	_ =	shalt  }
0x59: {  	_ =	shalt  }
0x5a: {  	_ =	shalt  }
0x5b: {  	_ =	shalt  }
0x5c: {  	_ =	shalt  }
0x5d: {  	_ =	shalt  }
0x5e: {  	_ =	shalt  }
0x5f: {  	_ =	shalt  }
0x60: {  	_ =	shalt  }
0x61: {  	_ =	shalt  }
0x62: {  	_ =	shalt  }
0x63: {  	_ =	shalt  }
0x64: {  	_ =	shalt  }
0x65: {  	_ =	shalt  }
0x66: {  	_ =	shalt  }
0x67: {  	_ =	shalt  }
0x68: {  	_ =	shalt  }
0x69: {  	_ =	shalt  }
0x6a: {  	_ =	shalt  }
0x6b: {  	_ =	shalt  }
0x6c: {  	_ =	shalt  }
0x6d: {  	_ =	shalt  }
0x6e: {  	_ =	shalt  }
0x6f: {  	_ =	shalt  }
0x70: {  	_ =	shalt  }
0x71: {  	_ =	shalt  }
0x72: {  	_ =	shalt  }
0x73: {  	_ =	shalt  }
0x74: {  	_ =	shalt  }
0x75: {  	_ =	shalt  }
0x76: {  	_ =	shalt  }
0x77: {  	_ =	shalt  }
0x78: {  	_ =	shalt  }
0x79: {  	_ =	shalt  }
0x7a: {  	_ =	shalt  }
0x7b: {  	_ =	shalt  }
0x7c: {  	_ =	shalt  }
0x7d: {  	_ =	shalt  }
0x7e: {  	_ =	shalt  }
0x7f: {  	_ =	shalt  }
0x80: {  	_ =	shalt  }
0x81: {  	_ =	shalt  }
0x82: {  	_ =	shalt  }
0x83: {  	_ =	shalt  }
0x84: {  	_ =	shalt  }
0x85: {  	_ =	shalt  }
0x86: {  	_ =	shalt  }
0x87: {  	_ =	shalt  }
.Lfunc_end0:
.L_simem_size_0:
called_computation_lowered:
.L_overlay_start_0:
0x88: {  	s2 =	sld [smem:$0x3FD9]  }
0x89: {  	s3 =	sld [smem:$0x3FFE];
	_ =	sdelay $0x1  }
0x8a: {  	s1 =	srdreg.scid  }
0x8b: {  	s0 =	sand.u32 $0x1, s1  }
0x8c: {  	s14 =	sshll.u32 s0, $0xA;
	s2 =	sadd.s32 s3, s2  }
0x8d: {  	s2 =	sadd.s32 s2, s14  }
0x8e: {  	[smem:$0x3FC2] =	sst s2  }
0x8f: {  	_ = 	snop  }
0x90: {  	s2 =	sld [smem:$0x3FD0];
	_ =	sdelay $0x2  }
0x91: {  	s15 =	simm.s32 $0xA;
	s4 =	simm.s32 $0x10  }
0x92: {  	[smem:s4], [sflag:s15] =	dma.local [hbm:s2], $0x1  }
0x93: {  	_ =	swait.eq [sflag:s15], $0x1  }
0x94: {  	[sflag:s15] =	ssyncset.done $0x0  }
0x95: {  	s16 =	sld [smem:$0x10];
	[sflag:s15] =	ssyncadd.s32 $0xFFFFFFFF  }
0x96: {  	s17 =	sld [smem:$0x11];
	(tm) =	ssettm $0x1  }
0x97: {  	s18 =	sld [smem:$0x3FFB];
	_ =	sdelay $0x3  }
0x98: {  	_ =	strace s18  }
0x99: {  	s4 =	sld [smem:$0x3FFC];
	_ =	sdelay $0x3  }
0x9a: {  	_ =	strace s4  }
0x9b: {  	s4 =	sld [smem:$0x3FFD];
	_ =	sdelay $0x3  }
0x9c: {  	_ =	strace s4  }
0x9d: {  	_ =	strace $0x8FFFFFFF  }
0x9e: {  	s19 =	sld [smem:$0x3FDB];
	_ =	sdelay $0x1  }
0x9f: {  	s5 =	simm.s32 $_scs_section_size  }
0xa0: {  	s6 =	simm.s32 $_size__tile_overlayer_lowered;
	s7 =	simm.s32 $_tile_overlayer_lowered  }
0xa1: {  	s22 =	simm.s32 $0x1BFF;
	s21 =	sshll.u32 s7, $0x1;
	s4 =	sadd.s32 s5, s19  }
0xa2: {  	s8 =	simm.s32 $0x0;
	s20 =	sshll.u32 s6, $0x1;
	s6 =	sadd.s32 s21, s4  }
0xa3: {  	[timem:s8], [sflag:s22] =	dma.local [hbm:s6], s20  }
0xa4: {  	_ =	swait.ge [sflag:s22], s20  }
0xa5: {  	s5 =	ssub.s32 $0x0, s20;
	[sflag:s22] =	ssyncset.done $0x0  }
0xa6: {  	[sflag:s22] =	ssyncadd.s32 s5;
	_ =	sdelay $0x1  }
0xa7: {  	s23 =	simm.s32 $0x1B8B  }
0xa8: {  	_ =	swait.ge [sflag:s23], $0x1  }
0xa9: {  	[sflag:s23] =	ssyncset.done $0x0  }
0xaa: {  	s25 =	simm.s32 $0x1B8E;
	s24 =	sld [smem:$0x3FFE];
	[sflag:s23] =	ssyncadd.s32 $0xFFFFFFFF  }
0xab: {  	s26 =	simm.s32 $execute0_lowered;
	[smem:$0x3FD2] =	sst s25  }
0xac: {  	s6 =	sshll.u32 s26, $0x1;
	_ =	strace $0x80000046;
	[dreg:$0x1] =	wrdreg $0xFFFFFFFF  }
0xad: {  	s28 =	simm.s32 $_size_execute0_lowered;
	s4 =	sadd.s32 s4, s6;
	[dreg:$0x0] =	wrdreg $0x0  }
0xae: {  	s6 =	sshll.u32 s28, $0x1;
	[dreg:$0x2] =	wrdreg s4  }
0xaf: {  	[dreg:$0x3] =	wrdreg s6  }
0xb0: {  	[dreg:$0x4] =	wrdreg $0xC0  }
0xb1: {  	_ =	task [dreg:s8], $0x5FFFF  }
0xb2: {  	[dreg:$0x1] =	wrdreg $0xFFFFFFFF  }
0xb3: {  	[dreg:$0x0] =	wrdreg $0x60  }
0xb4: {  	[dreg:$0x2] =	wrdreg s24  }
0xb5: {  	[dreg:$0x3] =	wrdreg s17  }
0xb6: {  	[dreg:$0x4] =	wrdreg s16  }
0xb7: {  	[dreg:$0x5] =	wrdreg $0x2FD00  }
0xb8: {  	[dreg:$0x6] =	wrdreg $0x9  }
0xb9: {  	_ =	task.clear_ibuf [dreg:s8], $0x7FFFF;
	_ =	strace $0x90000046  }
0xba: {  	s29 =	simm.s32 $0x9;
	_ =	strace $0x80000048  }
0xbb: {  	_ =	swait.ge [sflag:s29], $0x1  }
0xbc: {  	[sflag:s29] =	ssyncadd.s32 $0xFFFFFFFF  }
0xbd: {  	_ =	strace $0x90000048  }
0xbe: {  	_ =	sfence  }
0xbf: {  	s30 =	sld [smem:$0x0];
	_ =	sdelay $0x2  }
0xc0: {  	s31 =	sshll.u32 s1, $0xD;
	s1 =	sshrl.u32 s1, $0x2  }
0xc1: {  	s3 =	sand.u32 $0x4000, s31;
	s1 =	sadd.s32 s1, s30  }
0xc2: {  	s0 =	sor.u32 s3, s0;
	s1 =	sshll.u32 s1, $0x11  }
0xc3: {  	s0 =	sor.u32 s1, s0  }
0xc4: {  	s0 =	sadd.s32 $0x8F2B, s0  }
0xc5: {  	[sflag:s0] =	ssyncadd.remote.s32 $0x1  }
0xc6: {  	_ =	sfence.sel $0xFFFF  }
0xc7: {  	[dreg:$0x0] =	wrdreg $0xFFFFFFFF;
	(pc) =	sbr.abs _section_cstart, $3  }
0xc8: {  	[dreg:$0x1] =	wrdreg $0xFFFFFFFF  }
0xc9: {  	_ =	task.clear_ibuf [dreg:s8], $0x2FFFF;
	_ =	strace $0x9FFFFFFF  }
0xca: {  	(tm) =	ssettm $0x7FFFFFFF  }
0xcb: {  	_ =	shalt  }
tec
execute0_lowered:
.L_overlay_start_1:
0x0: {  	(tag) =	ssettag $0x1  }
0x1: {  	s5 =	rddreg [dreg:$0x0]  }
0x2: {  	s1 =	rddreg [dreg:$0x1]  }
0x3: {  	s2 =	srdreg.scid;
	s7 =	rddreg [dreg:$0x2]  }
0x4: {  	s0 =	stileid.u32;
	s3 =	rddreg [dreg:$0x3];
	s4 =	simm.s32 $0x0  }
0x5: {  	s13 =	simm.s32 $0x7D;
	s14 =	simm.s32 $0x80;
	s15 =	simm.s32 $0x100  }
0x6: {  	s16 =	simm.s32 $0x1;
	s17 =	simm.s32 $0x0;
	s6 =	sand.u32 $0x1, s2  }
0x7: {  	s28 =	sshll.u32 s0, $0x1;
	s9 =	smul.u32 $0x2700, s0;
	[smem:$0x7FF] =	sst s4  }
0x8: {  	s2 =	sor.u32 s6, s28;
	s10 =	ssub.s32 $0x2, s6;
	s6 =	smul.u32 $0x27100, s6  }
0x9: {  	s31 =	sshll.u32 s0, $0x6;
	s8 =	smul.u32 $0x500, s2;
	s2 =	rddreg [dreg:$0x4]  }
0xa: {  	_ =	strace $0x80000047;
	s11 =	sshrl.u32 s10, $0x1;
	s12 =	sadd.s32 s9, s3  }
0xb: {  	s10 =	ssub.s32 s10, s11;
	s29 =	sadd.s32 s9, s6;
	s9 =	simm.s32 $0x2800  }
0xc: {  	s11 =	sor.u32 $0x1C02, s31;
	s12 =	sshrl.u32 s12, $0x3;
	s8 =	sadd.s32 s8, s5  }
0xd: {  	s5 =	sadd.s32 $0xB400, s5;
	s30 =	sshrl.u32 s29, $0x3;
	s6 =	sadd.s32 $0x1400, s8  }
0xe: {  	s7 =	sadd.s32 s7, s30;
	s8 =	smax.u32 s10, $0x1;
	s10 =	simm.s32 $0x2  }
.LBB2_1:
0xf: {  	[tilespmem:s9], [sflag:$0x2] =	stream.linear.gather [hbm4b:s5+s4], $0x7D0, $0x38;
	[tilespmem:$0x56E0] =	vst v63  }
0x10: {  	_ =	swait.ge [sflag:s10], $0x7D0  }
0x11: {  	[sflag:s10] =	ssyncset.done $0x0  }
0x12: {  	[sflag:s10] =	ssyncadd.s32 $0xFFFFF830  }
0x13: {  	[spmem:s12], [sflag:s11] =	dma.local [hbm:s1], $0x500  }
0x14: {  	_ =	swait.ge [sflag:s10], $0x500  }
0x15: {  	[sflag:s10] =	ssyncset.done $0x0  }
0x16: {  	[sflag:s10] =	ssyncadd.s32 $0xFFFFFB00  }
0x17: {  	[bflag:$0x0] =	sbarrier.arrive $0xFFFF  }
0x18: {  	[tilespmem:s4], [sflag:$0x2] =	stream.linear.gather [hbm4b:s6+s4], $0x2800, $0x38;
	[tilespmem:$0x56E0] =	vst v63  }
0x19: {  	_ =	swait.ge [sflag:s10], $0x2800  }
0x1a: {  	[sflag:s10] =	ssyncset.done $0x0  }
0x1b: {  	[sflag:s10] =	ssyncadd.s32 $0xFFFFD800  }
0x1c: {  	[spmem:s3] =	stream.indirect.scatter.add.f32 [tilespmem:s9], [sflag:$0x1], $0x10, s4, s13, $0xb8;
	[tilespmem:$0x56E0] =	vst v63  }
0x1d: {  	_ = 	snop  }
0x1e: {  	[spmem:s3] =	stream.indirect.scatter.add.f32 [tilespmem:s9], [sflag:$0x1], $0x10, s14, s13, $0xb8;
	[tilespmem:$0x56E0] =	vst v63  }
0x1f: {  	_ = 	snop  }
0x20: {  	[spmem:s3] =	stream.indirect.scatter.add.f32 [tilespmem:s9], [sflag:$0x1], $0x10, s15, s13, $0xb8;
	[tilespmem:$0x56E0] =	vst v63  }
0x21: {  	s18 =	simm.s32 $0x180  }
0x22: {  	[spmem:s3] =	stream.indirect.scatter.add.f32 [tilespmem:s9], [sflag:$0x1], $0x10, s18, s13, $0xb8;
	[tilespmem:$0x56E0] =	vst v63  }
0x23: {  	_ =	swait.ge [sflag:s16], $0x7D0  }
0x24: {  	s18 =	simm.s32 $0x800;
	[sflag:s16] =	ssyncset.done $0x0  }
.LBB2_2:
0x25: {  	s19 =	sshra.s32 s18, $0x2;
	[sflag:s16] =	ssyncadd.s32 $0xFFFFF830;
	p0 =	sne.s32 s18, $0x9E00  }
0x26: {  	[spmem:s3] =	stream.indirect.scatter.add.f32 [tilespmem:s9], [sflag:$0x1], $0x10, s19, s13, $0xb8;
	[tilespmem:$0x56E0] =	vst v63  }
.Ltmp0:
0x27: {  	_ = 	snop;
	(pc) =	sbr.rel @p0 .LBB2_2-.Ltmp0, $4  }
0x28: {  	_ = 	snop  }
0x29: {  	s18 =	sadd.s32 $0x200, s18  }
0x2a: {  	_ =	swait.ge [sflag:s16], $0x7D0  }
0x2b: {  	[sflag:s16] =	ssyncset.done $0x0  }
0x2c: {  	[sflag:s16] =	ssyncadd.s32 $0xFFFFF830  }
0x2d: {  	_ =	swait.ge [sflag:s16], $0x7D0  }
0x2e: {  	[sflag:s16] =	ssyncset.done $0x0  }
0x2f: {  	[sflag:s16] =	ssyncadd.s32 $0xFFFFF830  }
0x30: {  	_ =	swait.ge [sflag:s16], $0x7D0  }
0x31: {  	[sflag:s16] =	ssyncset.done $0x0  }
0x32: {  	[sflag:s16] =	ssyncadd.s32 $0xFFFFF830  }
0x33: {  	_ =	swait.ge [sflag:s16], $0x7D0  }
0x34: {  	s17 =	sadd.s32 $0x1, s17;
	[sflag:s16] =	ssyncset.done $0x0  }
0x35: {  	p0 =	sne.s32 s17, s8;
	[sflag:s16] =	ssyncadd.s32 $0xFFFFF830  }
.Ltmp1:
0x36: {  	[bflag:$0x0] =	sbarrier.arrive $0xFFFF;
	(pc) =	sbr.rel @p0 .LBB2_1-.Ltmp1, $4  }
0x37: {  	[hbm:s7], [sflag:s11] =	dma.local [spmem:s12], $0x500  }
0x38: {  	_ =	swait.ge [sflag:s10], $0x500  }
0x39: {  	[sflag:s10] =	ssyncset.done $0x0  }
0x3a: {  	[sflag:s10] =	ssyncadd.s32 $0xFFFFFB00  }
0x3b: {  	_ =	sfence.sel $0x180000  }
0x3c: {  	[bflag:$0x0] =	sbarrier.arrive $0xFFFF  }
0x3d: {  	p0 =	sne.s32 s0, $0x0;
	_ =	strace $0x90000047  }
0x3e: {  	s0 =	sadd.s32 @!p0 $0x100000, s2;
	[bflag:$0x2] =	sbarrier.arrive $0xFFFF  }
0x3f: {  	[sflag:s0] =	ssyncadd.tile.s32 @!p0 $0x1;
	_ =	shalt  }
.Lfunc_end2:
_tile_overlayer_lowered:
.L_overlay_start_2:
0x40: {  	(tag) =	ssettag $0x2  }
0x41: {  	s0 =	rddreg [dreg:$0x0];
	s2 =	stileid.u32  }
0x42: {  	s1 =	rddreg [dreg:$0x1];
	p0 =	sne.s32 s2, $0x0  }
0x43: {  	s3 =	rddreg [dreg:$0x2];
	[bflag:$0x3] =	sbarrier.arrive $0xFFFF;
	s2 =	simm.s32 @!p0 $0x1C02  }
0x44: {  	[timem:s3], [sflag:s2] =	dma.local @!p0 [hbm:s0], s1  }
0x45: {  	s0 =	simm.s32 @!p0 $0x2  }
0x46: {  	_ =	swait.ge @!p0 [sflag:s0], s1  }
0x47: {  	s1 =	ssub.s32 @!p0 $0x0, s1;
	[sflag:s0] =	ssyncset.done @!p0 $0x0  }
0x48: {  	[sflag:s0] =	ssyncadd.s32 @!p0 s1  }
0x49: {  	[bflag:$0x3] =	sbarrier.arrive $0xFFFF  }
0x4a: {  	_ =	shalt  }

// kernel: kernel.9.cloned.1.call-start
scs
__scs_entry_jumppad:
0x0: {  	(pc) =	sbr.rel $0x88, $3  }
0x1: {  	(tag) =	ssettag $0x0;
	lr =	simm.s32 $0x1  }
0x2: {  	[smem:$0x3F9B] =	sst lr;
	_ =	strace $0xD0000000  }
0x3: {  	_ = 	snop  }
0x4: {  	_ = 	snop  }
0x5: {  	_ = 	snop  }
0x6: {  	_ = 	snop  }
0x7: {  	_ = 	snop  }
__scs_overlays_trampoline_lowered:
0x8: {  	[smem:$0x3FAA] =	sst s0  }
0x9: {  	[smem:$0x3FAB] =	sst s1  }
0xa: {  	[smem:$0x3FAC] =	sst s2  }
0xb: {  	[smem:$0x3FAD] =	sst s3  }
0xc: {  	[smem:$0x3FAE] =	sst s4  }
0xd: {  	[smem:$0x3FAF] =	sst s5  }
0xe: {  	[smem:$0x3FB0] =	sst s6  }
0xf: {  	[smem:$0x3FB1] =	sst s7  }
0x10: {  	[smem:$0x3FB2] =	sst s8  }
0x11: {  	[smem:$0x3FB3] =	sst s9;
	s0 =	simm.s32 @!p0 $0x0  }
0x12: {  	s1 =	sld [smem:$0x3F99];
	s0 =	simm.s32 @p0 $0x1  }
0x13: {  	[smem:$0x3FB4] =	sst s0;
	s0 =	simm.s32 @!p1 $0x0  }
0x14: {  	s2 =	sld [smem:$0x3F98];
	s0 =	simm.s32 @p1 $0x1  }
0x15: {  	[smem:$0x3FB5] =	sst s0;
	s0 =	simm.s32 @!p2 $0x0  }
0x16: {  	s3 =	sld [smem:$0x3FDB];
	s0 =	simm.s32 @p2 $0x1  }
0x17: {  	s4 =	simm.s32 $0x1BF5;
	[smem:$0x3FB7] =	sst s0  }
0x18: {  	s0 =	sld [smem:$0x3F9A];
	_ =	swait.ge [sflag:s4], $0x0  }
0x19: {  	s7 =	sld [smem:$0x3F9B]  }
0x1a: {  	s8 =	sadd.s32 $0xFFFFE003, lr  }
0x1b: {  	s9 =	sadd.s32 $0xFFFFFEF7, lr;
	s5 =	simm.s32 $0xFFFFFFFF;
	p2 =	slt.u32 s8, $0xFFFFF086  }
0x1c: {  	p1 =	slt.u32 s9, $0xF7A;
	s5 =	simm.s32 @!p2 $0x0  }
0x1d: {  	s5 =	simm.s32 @p1 $0x1;
	p0 =	seq.s32 s7, s2  }
0x1e: {  	s7 =	smul.u32 @!p0 $0xF7A, s2;
	p2 =	seq.s32 @!p0 s5, $0x0  }
0x1f: {  	s9 =	smul.u32 $0xF7A, s1;
	s8 =	simm.s32 @!p0 $0x1BF5;
	p2 =	por !p2, p0  }
0x20: {  	[sflag:s8] =	ssyncset.s32 @!p0 $0xFFFFF086;
	s6 =	sadd.s32 @!p0 s3, s7;
	s7 =	simm.s32 @!p0 $0x108  }
0x21: {  	s3 =	sadd.s32 s3, s9;
	s6 =	sadd.s32 @!p0 $0x88, s6;
	s7 =	simm.s32 @p2 $0x1082  }
0x22: {  	[simem:s7], [sflag:s8] =	dma.local @!p0 [hbm:s6], $0xF7A  }
0x23: {  	s9 =	sor.u32 $0xD0000000, s2;
	s6 =	simm.s32 $0x108;
	_ =	swait.ge @!p0 [sflag:s8], $0x0  }
0x24: {  	s3 =	sadd.s32 $0x88, s3;
	s6 =	simm.s32 @!p1 $0x1082;
	[sflag:s4] =	ssyncset.s32 $0xFFFFF086  }
0x25: {  	[simem:s6], [sflag:s4] =	dma.local [hbm:s3], $0xF7A  }
0x26: {  	[smem:$0x3F9B] =	sst s1;
	(tag) =	ssettag s2;
	_ =	strace s9  }
0x27: {  	s1 =	sld [smem:$0x3FAB]  }
0x28: {  	s2 =	sld [smem:$0x3FAC]  }
0x29: {  	s4 =	sld [smem:$0x3FAE]  }
0x2a: {  	p0 =	seq.s32 s5, $0x0;
	s5 =	sld [smem:$0x3FAF]  }
0x2b: {  	s6 =	sld [smem:$0x3FB0]  }
0x2c: {  	s7 =	sld [smem:$0x3FB1]  }
0x2d: {  	s3 =	simm.s32 $0x108;
	s8 =	sld [smem:$0x3FB2]  }
0x2e: {  	s3 =	simm.s32 @!p0 $0x1082;
	s9 =	sld [smem:$0x3FB3]  }
0x2f: {  	lr =	sadd.s32 s0, s3;
	s0 =	sld [smem:$0x3FAA]  }
0x30: {  	s3 =	sld [smem:$0x3FAD]  }
0x31: {  	[smem:$0x3FB6] =	sst s10  }
0x32: {  	s10 =	sld [smem:$0x3FB4];
	_ =	sdelay $0x3  }
0x33: {  	p0 =	seq.s32 s10, $0x1;
	s10 =	sld [smem:$0x3FB6];
	_ =	sdelay $0x3  }
0x34: {  	[smem:$0x3FB6] =	sst s10  }
0x35: {  	s10 =	sld [smem:$0x3FB5];
	_ =	sdelay $0x3  }
0x36: {  	p1 =	seq.s32 s10, $0x1;
	s10 =	sld [smem:$0x3FB6];
	_ =	sdelay $0x3  }
0x37: {  	[smem:$0x3FB6] =	sst s10  }
0x38: {  	s10 =	sld [smem:$0x3FB7]  }
0x39: {  	_ = 	snop;
	(pc) =	sbr.ind lr, $3  }
0x3a: {  	_ = 	snop  }
0x3b: {  	_ = 	snop  }
0x3c: {  	p2 =	seq.s32 s10, $0x1;
	s10 =	sld [smem:$0x3FB6]  }
0x3d: {  	_ =	shalt  }
0x3e: {  	_ =	shalt  }
0x3f: {  	_ =	shalt  }
0x40: {  	_ =	shalt  }
0x41: {  	_ =	shalt  }
0x42: {  	_ =	shalt  }
0x43: {  	_ =	shalt  }
0x44: {  	_ =	shalt  }
0x45: {  	_ =	shalt  }
0x46: {  	_ =	shalt  }
0x47: {  	_ =	shalt  }
0x48: {  	_ =	shalt  }
0x49: {  	_ =	shalt  }
0x4a: {  	_ =	shalt  }
0x4b: {  	_ =	shalt  }
0x4c: {  	_ =	shalt  }
0x4d: {  	_ =	shalt  }
0x4e: {  	_ =	shalt  }
0x4f: {  	_ =	shalt  }
0x50: {  	_ =	shalt  }
0x51: {  	_ =	shalt  }
0x52: {  	_ =	shalt  }
0x53: {  	_ =	shalt  }
0x54: {  	_ =	shalt  }
0x55: {  	_ =	shalt  }
0x56: {  	_ =	shalt  }
0x57: {  	_ =	shalt  }
0x58: {  	_ =	shalt  }
0x59: {  	_ =	shalt  }
0x5a: {  	_ =	shalt  }
0x5b: {  	_ =	shalt  }
0x5c: {  	_ =	shalt  }
0x5d: {  	_ =	shalt  }
0x5e: {  	_ =	shalt  }
0x5f: {  	_ =	shalt  }
0x60: {  	_ =	shalt  }
0x61: {  	_ =	shalt  }
0x62: {  	_ =	shalt  }
0x63: {  	_ =	shalt  }
0x64: {  	_ =	shalt  }
0x65: {  	_ =	shalt  }
0x66: {  	_ =	shalt  }
0x67: {  	_ =	shalt  }
0x68: {  	_ =	shalt  }
0x69: {  	_ =	shalt  }
0x6a: {  	_ =	shalt  }
0x6b: {  	_ =	shalt  }
0x6c: {  	_ =	shalt  }
0x6d: {  	_ =	shalt  }
0x6e: {  	_ =	shalt  }
0x6f: {  	_ =	shalt  }
0x70: {  	_ =	shalt  }
0x71: {  	_ =	shalt  }
0x72: {  	_ =	shalt  }
0x73: {  	_ =	shalt  }
0x74: {  	_ =	shalt  }
0x75: {  	_ =	shalt  }
0x76: {  	_ =	shalt  }
0x77: {  	_ =	shalt  }
0x78: {  	_ =	shalt  }
0x79: {  	_ =	shalt  }
0x7a: {  	_ =	shalt  }
0x7b: {  	_ =	shalt  }
0x7c: {  	_ =	shalt  }
0x7d: {  	_ =	shalt  }
0x7e: {  	_ =	shalt  }
0x7f: {  	_ =	shalt  }
0x80: {  	_ =	shalt  }
0x81: {  	_ =	shalt  }
0x82: {  	_ =	shalt  }
0x83: {  	_ =	shalt  }
0x84: {  	_ =	shalt  }
0x85: {  	_ =	shalt  }
0x86: {  	_ =	shalt  }
0x87: {  	_ =	shalt  }
.Lfunc_end0:
.L_simem_size_0:
called_computation.1_lowered:
.L_overlay_start_0:
0x88: {  	s2 =	sld [smem:$0x3FD9]  }
0x89: {  	s3 =	sld [smem:$0x3FFE];
	_ =	sdelay $0x1  }
0x8a: {  	s1 =	srdreg.scid  }
0x8b: {  	s0 =	sand.u32 $0x1, s1  }
0x8c: {  	s14 =	sshll.u32 s0, $0xA;
	s2 =	sadd.s32 s3, s2  }
0x8d: {  	s2 =	sadd.s32 s2, s14  }
0x8e: {  	[smem:$0x3FC2] =	sst s2  }
0x8f: {  	_ = 	snop  }
0x90: {  	s2 =	sld [smem:$0x3FD0];
	_ =	sdelay $0x2  }
0x91: {  	s15 =	simm.s32 $0xA;
	s4 =	simm.s32 $0x10  }
0x92: {  	[smem:s4], [sflag:s15] =	dma.local [hbm:s2], $0x1  }
0x93: {  	_ =	swait.eq [sflag:s15], $0x1  }
0x94: {  	[sflag:s15] =	ssyncset.done $0x0  }
0x95: {  	[sflag:s15] =	ssyncadd.s32 $0xFFFFFFFF  }
0x96: {  	s16 =	sld [smem:$0x10];
	(tm) =	ssettm $0x1  }
0x97: {  	s17 =	sld [smem:$0x3FFB];
	_ =	sdelay $0x3  }
0x98: {  	_ =	strace s17  }
0x99: {  	s3 =	sld [smem:$0x3FFC];
	_ =	sdelay $0x3  }
0x9a: {  	_ =	strace s3  }
0x9b: {  	s3 =	sld [smem:$0x3FFD];
	_ =	sdelay $0x3  }
0x9c: {  	_ =	strace s3  }
0x9d: {  	_ =	strace $0x8FFFFFFF  }
0x9e: {  	s18 =	sld [smem:$0x3FDB];
	_ =	sdelay $0x1  }
0x9f: {  	s19 =	simm.s32 $_scs_section_size  }
0xa0: {  	s5 =	simm.s32 $_size__tile_overlayer_lowered;
	s6 =	simm.s32 $_tile_overlayer_lowered  }
0xa1: {  	s22 =	simm.s32 $0x1BFF;
	s21 =	sshll.u32 s6, $0x1;
	s3 =	sadd.s32 s19, s18  }
0xa2: {  	s7 =	simm.s32 $0x0;
	s20 =	sshll.u32 s5, $0x1;
	s5 =	sadd.s32 s21, s3  }
0xa3: {  	[timem:s7], [sflag:s22] =	dma.local [hbm:s5], s20  }
0xa4: {  	_ =	swait.ge [sflag:s22], s20  }
0xa5: {  	s4 =	ssub.s32 $0x0, s20;
	[sflag:s22] =	ssyncset.done $0x0  }
0xa6: {  	[sflag:s22] =	ssyncadd.s32 s4;
	_ =	sdelay $0x1  }
0xa7: {  	s23 =	simm.s32 $0x1B8B  }
0xa8: {  	_ =	swait.ge [sflag:s23], $0x1  }
0xa9: {  	[sflag:s23] =	ssyncset.done $0x0  }
0xaa: {  	s25 =	simm.s32 $0x1B8E;
	s24 =	sld [smem:$0x3FFE];
	[sflag:s23] =	ssyncadd.s32 $0xFFFFFFFF  }
0xab: {  	s26 =	simm.s32 $execute0_lowered;
	[smem:$0x3FD2] =	sst s25  }
0xac: {  	s5 =	sshll.u32 s26, $0x1;
	_ =	strace $0x80000049;
	[dreg:$0x1] =	wrdreg $0xFFFFFFFF  }
0xad: {  	s28 =	simm.s32 $_size_execute0_lowered;
	s3 =	sadd.s32 s3, s5;
	[dreg:$0x0] =	wrdreg $0x0  }
0xae: {  	s5 =	sshll.u32 s28, $0x1;
	[dreg:$0x2] =	wrdreg s3  }
0xaf: {  	[dreg:$0x3] =	wrdreg s5  }
0xb0: {  	[dreg:$0x4] =	wrdreg $0xC0  }
0xb1: {  	_ =	task [dreg:s7], $0x5FFFF  }
0xb2: {  	[dreg:$0x1] =	wrdreg $0xFFFFFFFF  }
0xb3: {  	[dreg:$0x0] =	wrdreg $0x60  }
0xb4: {  	[dreg:$0x2] =	wrdreg s24  }
0xb5: {  	[dreg:$0x3] =	wrdreg s16  }
0xb6: {  	[dreg:$0x4] =	wrdreg $0xA7000  }
0xb7: {  	[dreg:$0x5] =	wrdreg $0x9  }
0xb8: {  	_ =	task.clear_ibuf [dreg:s7], $0x6FFFF;
	_ =	strace $0x90000049  }
0xb9: {  	s29 =	simm.s32 $0x9;
	_ =	strace $0x8000004B  }
0xba: {  	_ =	swait.ge [sflag:s29], $0x1  }
0xbb: {  	[sflag:s29] =	ssyncadd.s32 $0xFFFFFFFF  }
0xbc: {  	_ =	strace $0x9000004B  }
0xbd: {  	_ =	sfence  }
0xbe: {  	s30 =	sld [smem:$0x0];
	_ =	sdelay $0x2  }
0xbf: {  	s31 =	sshll.u32 s1, $0xD;
	s1 =	sshrl.u32 s1, $0x2  }
0xc0: {  	s3 =	sand.u32 $0x4000, s31;
	s1 =	sadd.s32 s1, s30  }
0xc1: {  	s0 =	sor.u32 s3, s0;
	s1 =	sshll.u32 s1, $0x11  }
0xc2: {  	s0 =	sor.u32 s1, s0  }
0xc3: {  	s0 =	sadd.s32 $0x8F2B, s0  }
0xc4: {  	[sflag:s0] =	ssyncadd.remote.s32 $0x1  }
0xc5: {  	_ =	sfence.sel $0xFFFF  }
0xc6: {  	[dreg:$0x0] =	wrdreg $0xFFFFFFFF;
	(pc) =	sbr.abs _section_cstart, $3  }
0xc7: {  	[dreg:$0x1] =	wrdreg $0xFFFFFFFF  }
0xc8: {  	_ =	task.clear_ibuf [dreg:s7], $0x2FFFF;
	_ =	strace $0x9FFFFFFF  }
0xc9: {  	(tm) =	ssettm $0x7FFFFFFF  }
tec
execute0_lowered:
.L_overlay_start_1:
0x0: {  	(tag) =	ssettag $0x1  }
0x1: {  	s0 =	srdreg.scid;
	s1 =	rddreg [dreg:$0x0]  }
0x2: {  	s14 =	stileid.u32;
	s5 =	rddreg [dreg:$0x1];
	s28 =	simm.s32 $0x6880  }
0x3: {  	s29 =	simm.s32 $0x5;
	s30 =	simm.s32 $0x1;
	s31 =	simm.s32 $0x2980  }
0x4: {  	s0 =	sand.u32 $0x1, s0;
	s2 =	sshll.u32 s14, $0x1;
	s10 =	smul.u32 $0x13800, s14  }
0x5: {  	s9 =	sadd.s32 $0x1400, s1;
	s12 =	smul.u32 $0x5000, s14;
	s18 =	sshll.u32 s14, $0x6  }
0x6: {  	s3 =	sor.u32 s0, s2;
	s2 =	rddreg [dreg:$0x2];
	s11 =	smul.u32 $0x138800, s0  }
0x7: {  	s6 =	ssub.s32 $0x2, s0;
	s0 =	smul.u32 $0x2800, s0;
	s14 =	sor.u32 $0x1C0D, s18  }
0x8: {  	s4 =	smul.u32 $0x2800, s3;
	s3 =	simm.s32 $0x0;
	s17 =	sshrl.u32 s10, $0x1  }
0x9: {  	s16 =	sshrl.u32 s6, $0x1;
	[smem:$0x7FF] =	sst s3;
	s13 =	sadd.s32 s17, s2  }
0xa: {  	s21 =	sadd.s32 s10, s11;
	s0 =	sadd.s32 s0, s12;
	s10 =	simm.s32 $0xD  }
0xb: {  	s11 =	simm.s32 $0x0;
	s7 =	sshrl.u32 s4, $0x3;
	_ =	strace $0x8000004A  }
0xc: {  	s4 =	sadd.s32 $0x16A00, s1;
	s22 =	sor.u32 $0x200, s0;
	s24 =	sor.u32 $0x280, s0  }
0xd: {  	s25 =	sor.u32 $0x180, s0;
	s0 =	sor.u32 $0x300, s0;
	[dreg:$0x5] =	wrdreg s14  }
0xe: {  	s8 =	sadd.s32 s7, s1;
	s1 =	sadd.s32 $0xB600, s1;
	s20 =	sadd.s32 s9, s7  }
0xf: {  	s23 =	sshrl.u32 s22, $0x3;
	s0 =	sshrl.u32 s0, $0x3;
	[dreg:$0x4] =	wrdreg s1  }
0x10: {  	s22 =	simm.s32 $0x2880;
	s19 =	sadd.s32 $0xCA00, s8;
	[dreg:$0x7] =	wrdreg s20  }
0x11: {  	s1 =	ssub.s32 s6, s16;
	s7 =	sadd.s32 $0x10, s20;
	[dreg:$0x6] =	wrdreg s19  }
0x12: {  	s6 =	sadd.s32 $0x20, s20;
	s0 =	sadd.s32 s0, s9;
	[dreg:$0x8] =	wrdreg s7  }
0x13: {  	s8 =	sshrl.u32 s13, $0x3;
	s20 =	simm.s32 $0x7D;
	[dreg:$0x9] =	wrdreg s6  }
0x14: {  	s7 =	sshrl.u32 s21, $0x4;
	s1 =	smax.u32 s1, $0x1;
	[dreg:$0xf] =	wrdreg s0  }
0x15: {  	s19 =	simm.s32 $0x2800;
	s21 =	simm.s32 $0x2A00;
	[dreg:$0x10] =	wrdreg s8  }
0x16: {  	s0 =	simm.s32 $0x6;
	s5 =	sadd.s32 s5, s7;
	[dreg:$0xb] =	wrdreg s1  }
0x17: {  	s1 =	sadd.s32 s23, s9;
	s23 =	simm.s32 $0x2;
	[dreg:$0xa] =	wrdreg s5  }
.Ltmp0:
0x18: {  	s7 =	simm.s32 $0x4;
	[dreg:$0xc] =	wrdreg s1;
	(pc) =	sbr.rel .LBB2_1-.Ltmp0, $4  }
0x19: {  	s1 =	sshrl.u32 s24, $0x3;
	s5 =	sshrl.u32 s25, $0x3;
	s24 =	simm.s32 $0x4940  }
0x1a: {  	s25 =	simm.s32 $0x2900;
	s1 =	sadd.s32 s1, s9;
	s26 =	sadd.s32 s5, s9  }
0x1b: {  	s5 =	simm.s32 $0x8;
	s9 =	simm.s32 $0xB;
	[dreg:$0xd] =	wrdreg s1  }
0x1c: {  	[dreg:$0xe] =	wrdreg s26;
	s1 =	simm.s32 $0x87C0;
	s26 =	simm.s32 $0x9  }
.LBB2_4:
0x1d: {  	s6 =	simm.s32 $0xC  }
0x1e: {  	_ =	swait.ge [sflag:s6], $0x1F40  }
0x1f: {  	[sflag:s6] =	ssyncset.done $0x0  }
0x20: {  	[sflag:s6] =	ssyncadd.s32 $0xFFFFE0C0  }
0x21: {  	[bflag:$0x0] =	sbarrier.arrive $0xFFFF  }
0x22: {  	s14 =	rddreg [dreg:$0x5]  }
0x23: {  	s17 =	rddreg [dreg:$0xa]  }
0x24: {  	s10 =	simm.s32 $0xD;
	s8 =	rddreg [dreg:$0x10]  }
0x25: {  	[hbm:s17], [sflag:s14] =	dma.local [spmem:s8], $0x1400  }
0x26: {  	_ =	swait.ge [sflag:s10], $0x1400  }
0x27: {  	s11 =	rddreg [dreg:$0x11]  }
0x28: {  	s18 =	rddreg [dreg:$0xb];
	s11 =	sadd.s32 $0x1, s11  }
0x29: {  	p0 =	sne.s32 s11, s18  }
.Ltmp1:
0x2a: {  	_ = 	snop;
	(pc) =	sbr.rel @!p0 .LBB2_5-.Ltmp1, $3  }
0x2b: {  	_ =	sdelay $0x1  }
0x2c: {  	[sflag:s10] =	ssyncset.done $0x0  }
0x2d: {  	[sflag:s10] =	ssyncadd.s32 $0xFFFFEC00  }
.LBB2_1:
0x2e: {  	[dreg:$0x11] =	wrdreg s11  }
0x2f: {  	s6 =	rddreg [dreg:$0x4]  }
0x30: {  	[spmem:s8], [sflag:s14] =	dma.local [hbm:s6], $0x1400  }
0x31: {  	_ =	swait.ge [sflag:s10], $0x1400  }
0x32: {  	[sflag:s10] =	ssyncset.done $0x0  }
0x33: {  	[sflag:s10] =	ssyncadd.s32 $0xFFFFEC00  }
0x34: {  	[bflag:$0x0] =	sbarrier.arrive $0xFFFF  }
0x35: {  	s13 =	rddreg [dreg:$0x6]  }
0x36: {  	[tilespmem:s3], [sflag:$0xD] =	stream.linear.gather [hbm4b:s13+s3], $0x2800, $0x38;
	[tilespmem:$0x14340] =	vst v63  }
0x37: {  	_ =	swait.ge [sflag:s10], $0x2800  }
0x38: {  	[sflag:s10] =	ssyncset.done $0x0;
	s14 =	rddreg [dreg:$0x7]  }
0x39: {  	s15 =	rddreg [dreg:$0x8];
	[sflag:s10] =	ssyncadd.s32 $0xFFFFD800  }
0x3a: {  	[tilespmem:s19], [sflag:$0x5] =	stream.linear.gather [hbm4b:s14+s3], $0x80, $0x38;
	[tilespmem:$0x14340] =	vst v63  }
0x3b: {  	s17 =	rddreg [dreg:$0x9]  }
0x3c: {  	[tilespmem:s21], [sflag:$0x1] =	stream.indirect.gather [hbm4b:s4+s20], $0x40, s3, s20, $0xb8;
	[tilespmem:$0x14340] =	vst v63  }
0x3d: {  	s13 =	rddreg [dreg:$0xc]  }
0x3e: {  	[tilespmem:s22], [sflag:$0x6] =	stream.linear.gather [hbm4b:s15+s3], $0x80, $0x38;
	[tilespmem:$0x14340] =	vst v63  }
0x3f: {  	s16 =	simm.s32 $0x80;
	s14 =	rddreg [dreg:$0xd]  }
0x40: {  	[tilespmem:s24], [sflag:$0x2] =	stream.indirect.gather [hbm4b:s4+s20], $0x40, s16, s20, $0xb8;
	[tilespmem:$0x14340] =	vst v63  }
0x41: {  	s15 =	rddreg [dreg:$0xe]  }
0x42: {  	[tilespmem:s25], [sflag:$0x7] =	stream.linear.gather [hbm4b:s17+s3], $0x80, $0x38;
	[tilespmem:$0x14340] =	vst v63  }
0x43: {  	s18 =	simm.s32 $0x100;
	s8 =	simm.s32 $0x0;
	s16 =	rddreg [dreg:$0xf]  }
0x44: {  	[tilespmem:s28], [sflag:$0x3] =	stream.indirect.gather [hbm4b:s4+s20], $0x40, s18, s20, $0xb8;
	[tilespmem:$0x14340] =	vst v63  }
.LBB2_2:
0x45: {  	_ =	swait.ge [sflag:s29], $0x80  }
0x46: {  	[sflag:s29] =	ssyncset.done $0x0  }
0x47: {  	[sflag:s29] =	ssyncadd.s32 $0xFFFFFF80  }
0x48: {  	_ =	swait.ge [sflag:s30], $0x1F40  }
0x49: {  	p0 =	seq.s32 s8, $0x0;
	[sflag:s30] =	ssyncset.done $0x0  }
0x4a: {  	s12 =	simm.s32 @!p0 $0xC;
	[sflag:s30] =	ssyncadd.s32 $0xFFFFE0C0  }
0x4b: {  	[spmem:s2] =	stream.indirect.scatter.add.bf16 [tilespmem:s21], [sflag:$0x9], $0x40, s19, s20, $0xb8;
	[tilespmem:$0x14340] =	vst v63  }
0x4c: {  	_ =	swait.ge @!p0 [sflag:s12], $0x1F40  }
0x4d: {  	[sflag:s12] =	ssyncset.done @!p0 $0x0  }
0x4e: {  	[sflag:s12] =	ssyncadd.s32 @!p0 $0xFFFFE0C0;
	s12 =	sshra.s32 s8, $0x2  }
0x4f: {  	[tilespmem:s31], [sflag:$0x8] =	stream.linear.gather [hbm4b:s15+s3], $0x80, $0x38;
	[tilespmem:$0x14340] =	vst v63  }
0x50: {  	s10 =	sadd.s32 $0x180, s12  }
0x51: {  	[tilespmem:s1], [sflag:$0x4] =	stream.indirect.gather [hbm4b:s4+s20], $0x40, s10, s20, $0xb8;
	[tilespmem:$0x14340] =	vst v63  }
0x52: {  	_ =	swait.ge [sflag:s0], $0x80  }
0x53: {  	[sflag:s0] =	ssyncset.done $0x0  }
0x54: {  	[sflag:s0] =	ssyncadd.s32 $0xFFFFFF80  }
0x55: {  	_ =	swait.ge [sflag:s23], $0x1F40  }
0x56: {  	[sflag:s23] =	ssyncset.done $0x0  }
0x57: {  	[sflag:s23] =	ssyncadd.s32 $0xFFFFE0C0  }
0x58: {  	[spmem:s2] =	stream.indirect.scatter.add.bf16 [tilespmem:s24], [sflag:$0xA], $0x40, s22, s20, $0xb8;
	[tilespmem:$0x14340] =	vst v63  }
0x59: {  	_ =	swait.ge [sflag:s26], $0x1F40  }
0x5a: {  	p0 =	seq.s32 s8, $0x9800;
	[sflag:s26] =	ssyncset.done $0x0  }
0x5b: {  	s10 =	simm.s32 @p0 $0x7;
	[sflag:s26] =	ssyncadd.s32 $0xFFFFE0C0  }
0x5c: {  	_ =	swait.ge @p0 [sflag:s10], $0x80  }
0x5d: {  	[sflag:s10] =	ssyncset.done @p0 $0x0  }
0x5e: {  	[sflag:s10] =	ssyncadd.s32 @p0 $0xFFFFFF80;
	s10 =	simm.s32 @p0 $0x3  }
0x5f: {  	_ =	swait.ge @p0 [sflag:s10], $0x1F40  }
0x60: {  	s6 =	simm.s32 @p0 $0x2900;
	[sflag:s10] =	ssyncset.done @p0 $0x0  }
0x61: {  	s17 =	simm.s32 @p0 $0x6880;
	[sflag:s10] =	ssyncadd.s32 @p0 $0xFFFFE0C0;
	s10 =	simm.s32 @p0 $0x7D  }
0x62: {  	[spmem:s2] =	stream.indirect.scatter.add.bf16 @p0 [tilespmem:s17], [sflag:$0xB], $0x40, s6, s10, $0xb8;
	[tilespmem:$0x14340] =	vst v63  }
0x63: {  	s6 =	simm.s32 @p0 $0xA  }
0x64: {  	_ =	swait.ge @p0 [sflag:s6], $0x1F40  }
0x65: {  	[sflag:s6] =	ssyncset.done @p0 $0x0  }
0x66: {  	s10 =	simm.s32 @!p0 $0x2800;
	[sflag:s6] =	ssyncadd.s32 @p0 $0xFFFFE0C0;
	s6 =	simm.s32 @!p0 $0x0  }
0x67: {  	[tilespmem:s10], [sflag:$0x5] =	stream.linear.gather @!p0 [hbm4b:s13+s6], $0x80, $0x38;
	[tilespmem:$0x14340] =	vst v63  }
0x68: {  	s10 =	sshra.s32 @!p0 s8, $0x2  }
0x69: {  	s18 =	simm.s32 @!p0 $0x7D;
	s11 =	simm.s32 @!p0 $0x2A00;
	s17 =	sadd.s32 @!p0 $0x200, s10  }
0x6a: {  	[tilespmem:s11], [sflag:$0x1] =	stream.indirect.gather @!p0 [hbm4b:s4+s18], $0x40, s17, s18, $0xb8;
	[tilespmem:$0x14340] =	vst v63  }
0x6b: {  	s11 =	simm.s32 @!p0 $0x7  }
0x6c: {  	_ =	swait.ge @!p0 [sflag:s11], $0x80  }
0x6d: {  	[sflag:s11] =	ssyncset.done @!p0 $0x0  }
0x6e: {  	[sflag:s11] =	ssyncadd.s32 @!p0 $0xFFFFFF80;
	s11 =	simm.s32 @!p0 $0x3  }
0x6f: {  	_ =	swait.ge @!p0 [sflag:s11], $0x1F40  }
0x70: {  	[sflag:s11] =	ssyncset.done @!p0 $0x0  }
0x71: {  	s17 =	simm.s32 @!p0 $0x6880;
	[sflag:s11] =	ssyncadd.s32 @!p0 $0xFFFFE0C0;
	s11 =	simm.s32 @!p0 $0x2900  }
0x72: {  	[spmem:s2] =	stream.indirect.scatter.add.bf16 @!p0 [tilespmem:s17], [sflag:$0xB], $0x40, s11, s18, $0xb8;
	[tilespmem:$0x14340] =	vst v63  }
0x73: {  	s11 =	simm.s32 @!p0 $0xA  }
0x74: {  	_ =	swait.ge @!p0 [sflag:s11], $0x1F40  }
0x75: {  	[sflag:s11] =	ssyncset.done @!p0 $0x0  }
0x76: {  	[sflag:s11] =	ssyncadd.s32 @!p0 $0xFFFFE0C0;
	s11 =	simm.s32 @!p0 $0x2880  }
0x77: {  	[tilespmem:s11], [sflag:$0x6] =	stream.linear.gather @!p0 [hbm4b:s14+s6], $0x80, $0x38;
	[tilespmem:$0x14340] =	vst v63  }
0x78: {  	s6 =	sadd.s32 @!p0 $0x280, s10;
	s10 =	simm.s32 @!p0 $0x4940  }
0x79: {  	[tilespmem:s10], [sflag:$0x2] =	stream.indirect.gather @!p0 [hbm4b:s4+s18], $0x40, s6, s18, $0xb8;
	[tilespmem:$0x14340] =	vst v63  }
0x7a: {  	_ =	swait.ge [sflag:s5], $0x80  }
0x7b: {  	[sflag:s5] =	ssyncset.done $0x0  }
0x7c: {  	[sflag:s5] =	ssyncadd.s32 $0xFFFFFF80  }
0x7d: {  	_ =	swait.ge [sflag:s7], $0x1F40  }
0x7e: {  	[sflag:s7] =	ssyncset.done $0x0  }
.Ltmp2:
0x7f: {  	[sflag:s7] =	ssyncadd.s32 $0xFFFFE0C0;
	(pc) =	sbr.rel @p0 .LBB2_4-.Ltmp2, $4  }
0x80: {  	[spmem:s2] =	stream.indirect.scatter.add.bf16 [tilespmem:s1], [sflag:$0xC], $0x40, s31, s20, $0xb8;
	[tilespmem:$0x14340] =	vst v63  }
0x81: {  	_ =	swait.ge [sflag:s9], $0x1F40  }
0x82: {  	[sflag:s9] =	ssyncset.done $0x0  }
0x83: {  	[sflag:s9] =	ssyncadd.s32 $0xFFFFE0C0  }
.Ltmp3:
0x84: {  	(pc) =	sbr.rel .LBB2_2-.Ltmp3, $4  }
0x85: {  	[tilespmem:s25], [sflag:$0x7] =	stream.linear.gather [hbm4b:s16+s3], $0x80, $0x38;
	[tilespmem:$0x14340] =	vst v63  }
0x86: {  	s6 =	sadd.s32 $0x300, s12;
	s8 =	sadd.s32 $0x800, s8;
	s13 =	sadd.s32 $0x40, s13  }
0x87: {  	s14 =	sadd.s32 $0x40, s14;
	s15 =	sadd.s32 $0x40, s15;
	s16 =	sadd.s32 $0x40, s16  }
0x88: {  	[tilespmem:s28], [sflag:$0x3] =	stream.indirect.gather [hbm4b:s4+s20], $0x40, s6, s20, $0xb8;
	[tilespmem:$0x14340] =	vst v63  }
.LBB2_5:
0x89: {  	_ =	sfence.sel $0x180000  }
0x8a: {  	[bflag:$0x0] =	sbarrier.arrive $0xFFFF  }
0x8b: {  	_ =	strace $0x9000004A  }
0x8c: {  	s0 =	stileid.u32;
	[bflag:$0x2] =	sbarrier.arrive $0xFFFF  }
0x8d: {  	p0 =	sne.s32 s0, $0x0;
	s0 =	rddreg [dreg:$0x3]  }
0x8e: {  	s0 =	sadd.s32 @!p0 $0x100000, s0  }
0x8f: {  	[sflag:s0] =	ssyncadd.tile.s32 @!p0 $0x1;
	_ =	shalt  }
.Lfunc_end2:
_tile_overlayer_lowered:
.L_overlay_start_2:
0x90: {  	(tag) =	ssettag $0x2  }
0x91: {  	s0 =	rddreg [dreg:$0x0];
	s2 =	stileid.u32  }
0x92: {  	s1 =	rddreg [dreg:$0x1];
	p0 =	sne.s32 s2, $0x0  }
0x93: {  	s3 =	rddreg [dreg:$0x2];
	[bflag:$0x3] =	sbarrier.arrive $0xFFFF;
	s2 =	simm.s32 @!p0 $0x1C0D  }
0x94: {  	[timem:s3], [sflag:s2] =	dma.local @!p0 [hbm:s0], s1  }
0x95: {  	s0 =	simm.s32 @!p0 $0xD  }
0x96: {  	_ =	swait.ge @!p0 [sflag:s0], s1  }
0x97: {  	s1 =	ssub.s32 @!p0 $0x0, s1;
	[sflag:s0] =	ssyncset.done @!p0 $0x0  }
0x98: {  	[sflag:s0] =	ssyncadd.s32 @!p0 s1  }
0x99: {  	[bflag:$0x3] =	sbarrier.arrive $0xFFFF  }
0x9a: {  	_ =	shalt  }

</sc_bundles>
